<compile_context>
chip_gen: v7x
topology: tpu7x:2x2x1
jax: 0.10.2.dev20260603
libtpu: 0.0.44.dev20260713+nightly
codegen_flags: <defaults>
</compile_context>

<pallas_src>
import functools

import jax
import jax.numpy as jnp
from jax import lax
from jax.experimental import pallas as pl
from jax.experimental.pallas import tpu as pltpu
from jax.experimental.pallas import tpu_sc as plsc

_B = 16384
_F = 26
_NC = 2
_NS = 16
_NW = _NC * _NS
_RPW = _B // _NW
_IPW = _RPW * _F
_L = 16
_TPAD = 1000448


def _sc_body(table_hbm, idx_hbm, bias_hbm, out_hbm, idx_v, vals_v,
             acc_v, bias_v, sem):
  wid = lax.axis_index("s") * _NC + lax.axis_index("c")
  base = wid * _RPW
  idx_copies = [
      pltpu.async_copy(
          idx_hbm.at[f, pl.ds(base, _RPW)],
          idx_v.at[pl.ds(f * _RPW, _RPW)],
          sem,
      )
      for f in range(_F)
  ]
  pltpu.sync_copy(bias_hbm, bias_v)
  for c in idx_copies:
    c.wait()
  pltpu.async_copy(table_hbm.at[idx_v], vals_v, sem).wait()
  bias_reg = bias_v[...]

  def chunk_body(c, _):
    off = c * _L
    acc = bias_reg + vals_v[pl.ds(off, _L)]
    for f in range(1, _F):
      acc = acc + vals_v[pl.ds(f * _RPW + off, _L)]
    acc_v[pl.ds(off, _L)] = acc
    return 0

  lax.fori_loop(0, _RPW // _L, chunk_body, 0)
  pltpu.sync_copy(acc_v, out_hbm.at[pl.ds(base, _RPW)])


@functools.partial(
    pl.kernel,
    out_type=jax.ShapeDtypeStruct((_B,), jnp.float32),
    mesh=plsc.VectorSubcoreMesh(core_axis_name="c", subcore_axis_name="s"),
    scratch_types=[
        pltpu.VMEM((_IPW,), jnp.int32),
        pltpu.VMEM((_IPW,), jnp.float32),
        pltpu.VMEM((_RPW,), jnp.float32),
        pltpu.VMEM((_L,), jnp.float32),
        pltpu.SemaphoreType.DMA,
    ],
)
def _sc_kernel(table, idxp, bias16, out, idx_v, vals_v, acc_v, bias_v, sem):
  _sc_body(table, idxp, bias16, out, idx_v, vals_v, acc_v, bias_v, sem)


@jax.jit
def kernel(x, fc_weight, bias):
  table = jnp.pad(fc_weight, ((0, _TPAD - fc_weight.shape[0]), (0, 0))).reshape(-1)
  idxp = x.astype(jnp.int32).T
  bias16 = jnp.broadcast_to(bias.reshape(-1)[:1], (_L,)).astype(jnp.float32)
  out = _sc_kernel(table, idxp, bias16)
  return out.reshape(_B, 1)

# --- scband reference (transcript-rebuilt; emitter-appended) ---
"""Pipeline reference for scband-features-linear-31894427140264 (READ-ONLY COPY).

The authoritative reference and input builder live on the scoring server;
editing this copy changes nothing except your own understanding.
"""

import jax, jax.numpy as jnp
import numpy as np

FIELD_DIMS = 1000000
OUTPUT_DIM = 1
BATCH = 16384
N_FIELDS = 26

def setup_inputs(seed: int = 0) -> dict:
    key = jax.random.key(seed)
    k1, k2 = jax.random.split(key)
    x = jax.random.randint(k1, (BATCH, N_FIELDS), 0, FIELD_DIMS, dtype=jnp.int64 if jax.config.jax_enable_x64 else jnp.int32)
    fc_weight = jax.random.normal(k2, (FIELD_DIMS, OUTPUT_DIM), dtype=jnp.float32) * 0.01
    bias = jnp.zeros((OUTPUT_DIM,), dtype=jnp.float32)
    return {"x": x, "fc_weight": fc_weight, "bias": bias}

def reference(x, fc_weight, bias):
    # torch: torch.sum(self.fc(x), dim=1) + self.bias
    emb = jnp.take(fc_weight, x, axis=0)  # [B, F, output_dim]
    out = jnp.sum(emb, axis=1) + bias     # [B, output_dim]
    return out

if __name__ == "__main__":
    import jax
    _d = setup_inputs()
    print(jax.jit(kernel)(*tuple(_d.values())))

</pallas_src>

<mosaic_0001>
#map = affine_map<(d0, d1) -> (0)>
#map1 = affine_map<(d0, d1) -> (0, 0)>
module attributes {stable_mosaic.version = 14 : i64} {
  func.func @_sc_kernel(%arg0: i32, %arg1: i32, %arg2: memref<1000448xf32, #tpu.memory_space<hbm>>, %arg3: memref<26x16384xi32, #tpu.memory_space<hbm>>, %arg4: memref<16xf32, #tpu.memory_space<hbm>>, %arg5: memref<16384xf32, #tpu.memory_space<hbm>>, %arg6: memref<13312xi32, #tpu.memory_space<vmem>>, %arg7: memref<13312xf32, #tpu.memory_space<vmem>>, %arg8: memref<512xf32, #tpu.memory_space<vmem>>, %arg9: memref<16xf32, #tpu.memory_space<vmem>>, %arg10: memref<!tpu.dma_semaphore, #tpu.memory_space<semaphore_mem>>) attributes {dimension_semantics = [#tpu.dimension_semantics<core_parallel>, #tpu.dimension_semantics<subcore_parallel>], iteration_bounds = array<i64: 2, 16>, scalar_prefetch = 0 : i64, scratch_operands = 5 : i64, tpu.core_type = #tpu.core_type<sc_vector_subcore>, window_params = [{transform_indices = #map}, {transform_indices = #map1}, {transform_indices = #map}, {transform_indices = #map}]} {
    %mul3A = arith.constant 2 : i32
    %mul3A_0 = arith.muli %arg1, %mul3A : i32
    %add3A = arith.addi %mul3A_0, %arg0 : i32
    %mul3A_1 = arith.constant 512 : i32
    %mul3A_2 = arith.muli %add3A, %mul3A_1 : i32
    %dma_start3A = arith.constant 0 : i32
    %dma_start3A_3 = arith.constant 0 : i32
    %dma_start3A_4 = tpu.memref_slice %arg6[%dma_start3A_3] : memref<13312xi32, #tpu.memory_space<vmem>> -> memref<512xi32, #tpu.memory_space<vmem>>
    %dma_start3A_5 = tpu.memref_slice %arg3[%dma_start3A, %mul3A_2] : memref<26x16384xi32, #tpu.memory_space<hbm>> -> memref<1x512xi32, #tpu.memory_space<hbm>>
    %dma_start3A_6 = tpu.memref_squeeze %dma_start3A_5 : memref<1x512xi32, #tpu.memory_space<hbm>> -> memref<512xi32, #tpu.memory_space<hbm>>
    %dma_start3A_7 = arith.constant 0 : i32
    %dma_start3A_8 = tpu.memref_slice %arg6[%dma_start3A_7] : memref<13312xi32, #tpu.memory_space<vmem>> -> memref<512xi32, #tpu.memory_space<vmem>>
    %dma_start3A_9 = tpu.memref_slice %arg3[%dma_start3A, %mul3A_2] : memref<26x16384xi32, #tpu.memory_space<hbm>> -> memref<1x512xi32, #tpu.memory_space<hbm>>
    %dma_start3A_10 = tpu.memref_squeeze %dma_start3A_9 : memref<1x512xi32, #tpu.memory_space<hbm>> -> memref<512xi32, #tpu.memory_space<hbm>>
    tpu.enqueue_dma source(%dma_start3A_10 : memref<512xi32, #tpu.memory_space<hbm>>) target(%dma_start3A_8 : memref<512xi32, #tpu.memory_space<vmem>>) target_semaphore(%arg10 : memref<!tpu.dma_semaphore, #tpu.memory_space<semaphore_mem>>)
    %dma_start3A_11 = arith.constant 1 : i32
    %dma_start3A_12 = arith.constant 512 : i32
    %dma_start3A_13 = tpu.memref_slice %arg6[%dma_start3A_12] : memref<13312xi32, #tpu.memory_space<vmem>> -> memref<512xi32, #tpu.memory_space<vmem>>
    %dma_start3A_14 = tpu.memref_slice %arg3[%dma_start3A_11, %mul3A_2] : memref<26x16384xi32, #tpu.memory_space<hbm>> -> memref<1x512xi32, #tpu.memory_space<hbm>>
    %dma_start3A_15 = tpu.memref_squeeze %dma_start3A_14 : memref<1x512xi32, #tpu.memory_space<hbm>> -> memref<512xi32, #tpu.memory_space<hbm>>
    %dma_start3A_16 = arith.constant 512 : i32
    %dma_start3A_17 = tpu.memref_slice %arg6[%dma_start3A_16] : memref<13312xi32, #tpu.memory_space<vmem>> -> memref<512xi32, #tpu.memory_space<vmem>>
    %dma_start3A_18 = tpu.memref_slice %arg3[%dma_start3A_11, %mul3A_2] : memref<26x16384xi32, #tpu.memory_space<hbm>> -> memref<1x512xi32, #tpu.memory_space<hbm>>
    %dma_start3A_19 = tpu.memref_squeeze %dma_start3A_18 : memref<1x512xi32, #tpu.memory_space<hbm>> -> memref<512xi32, #tpu.memory_space<hbm>>
    tpu.enqueue_dma source(%dma_start3A_19 : memref<512xi32, #tpu.memory_space<hbm>>) target(%dma_start3A_17 : memref<512xi32, #tpu.memory_space<vmem>>) target_semaphore(%arg10 : memref<!tpu.dma_semaphore, #tpu.memory_space<semaphore_mem>>)
    %dma_start3A_20 = arith.constant 2 : i32
    %dma_start3A_21 = arith.constant 1024 : i32
    %dma_start3A_22 = tpu.memref_slice %arg6[%dma_start3A_21] : memref<13312xi32, #tpu.memory_space<vmem>> -> memref<512xi32, #tpu.memory_space<vmem>>
    %dma_start3A_23 = tpu.memref_slice %arg3[%dma_start3A_20, %mul3A_2] : memref<26x16384xi32, #tpu.memory_space<hbm>> -> memref<1x512xi32, #tpu.memory_space<hbm>>
    %dma_start3A_24 = tpu.memref_squeeze %dma_start3A_23 : memref<1x512xi32, #tpu.memory_space<hbm>> -> memref<512xi32, #tpu.memory_space<hbm>>
    %dma_start3A_25 = arith.constant 1024 : i32
    %dma_start3A_26 = tpu.memref_slice %arg6[%dma_start3A_25] : memref<13312xi32, #tpu.memory_space<vmem>> -> memref<512xi32, #tpu.memory_space<vmem>>
    %dma_start3A_27 = tpu.memref_slice %arg3[%dma_start3A_20, %mul3A_2] : memref<26x16384xi32, #tpu.memory_space<hbm>> -> memref<1x512xi32, #tpu.memory_space<hbm>>
    %dma_start3A_28 = tpu.memref_squeeze %dma_start3A_27 : memref<1x512xi32, #tpu.memory_space<hbm>> -> memref<512xi32, #tpu.memory_space<hbm>>
    tpu.enqueue_dma source(%dma_start3A_28 : memref<512xi32, #tpu.memory_space<hbm>>) target(%dma_start3A_26 : memref<512xi32, #tpu.memory_space<vmem>>) target_semaphore(%arg10 : memref<!tpu.dma_semaphore, #tpu.memory_space<semaphore_mem>>)
    %dma_start3A_29 = arith.constant 3 : i32
    %dma_start3A_30 = arith.constant 1536 : i32
    %dma_start3A_31 = tpu.memref_slice %arg6[%dma_start3A_30] : memref<13312xi32, #tpu.memory_space<vmem>> -> memref<512xi32, #tpu.memory_space<vmem>>
    %dma_start3A_32 = tpu.memref_slice %arg3[%dma_start3A_29, %mul3A_2] : memref<26x16384xi32, #tpu.memory_space<hbm>> -> memref<1x512xi32, #tpu.memory_space<hbm>>
    %dma_start3A_33 = tpu.memref_squeeze %dma_start3A_32 : memref<1x512xi32, #tpu.memory_space<hbm>> -> memref<512xi32, #tpu.memory_space<hbm>>
    %dma_start3A_34 = arith.constant 1536 : i32
    %dma_start3A_35 = tpu.memref_slice %arg6[%dma_start3A_34] : memref<13312xi32, #tpu.memory_space<vmem>> -> memref<512xi32, #tpu.memory_space<vmem>>
    %dma_start3A_36 = tpu.memref_slice %arg3[%dma_start3A_29, %mul3A_2] : memref<26x16384xi32, #tpu.memory_space<hbm>> -> memref<1x512xi32, #tpu.memory_space<hbm>>
    %dma_start3A_37 = tpu.memref_squeeze %dma_start3A_36 : memref<1x512xi32, #tpu.memory_space<hbm>> -> memref<512xi32, #tpu.memory_space<hbm>>
    tpu.enqueue_dma source(%dma_start3A_37 : memref<512xi32, #tpu.memory_space<hbm>>) target(%dma_start3A_35 : memref<512xi32, #tpu.memory_space<vmem>>) target_semaphore(%arg10 : memref<!tpu.dma_semaphore, #tpu.memory_space<semaphore_mem>>)
    %dma_start3A_38 = arith.constant 4 : i32
    %dma_start3A_39 = arith.constant 2048 : i32
    %dma_start3A_40 = tpu.memref_slice %arg6[%dma_start3A_39] : memref<13312xi32, #tpu.memory_space<vmem>> -> memref<512xi32, #tpu.memory_space<vmem>>
    %dma_start3A_41 = tpu.memref_slice %arg3[%dma_start3A_38, %mul3A_2] : memref<26x16384xi32, #tpu.memory_space<hbm>> -> memref<1x512xi32, #tpu.memory_space<hbm>>
    %dma_start3A_42 = tpu.memref_squeeze %dma_start3A_41 : memref<1x512xi32, #tpu.memory_space<hbm>> -> memref<512xi32, #tpu.memory_space<hbm>>
    %dma_start3A_43 = arith.constant 2048 : i32
    %dma_start3A_44 = tpu.memref_slice %arg6[%dma_start3A_43] : memref<13312xi32, #tpu.memory_space<vmem>> -> memref<512xi32, #tpu.memory_space<vmem>>
    %dma_start3A_45 = tpu.memref_slice %arg3[%dma_start3A_38, %mul3A_2] : memref<26x16384xi32, #tpu.memory_space<hbm>> -> memref<1x512xi32, #tpu.memory_space<hbm>>
    %dma_start3A_46 = tpu.memref_squeeze %dma_start3A_45 : memref<1x512xi32, #tpu.memory_space<hbm>> -> memref<512xi32, #tpu.memory_space<hbm>>
    tpu.enqueue_dma source(%dma_start3A_46 : memref<512xi32, #tpu.memory_space<hbm>>) target(%dma_start3A_44 : memref<512xi32, #tpu.memory_space<vmem>>) target_semaphore(%arg10 : memref<!tpu.dma_semaphore, #tpu.memory_space<semaphore_mem>>)
    %dma_start3A_47 = arith.constant 5 : i32
    %dma_start3A_48 = arith.constant 2560 : i32
    %dma_start3A_49 = tpu.memref_slice %arg6[%dma_start3A_48] : memref<13312xi32, #tpu.memory_space<vmem>> -> memref<512xi32, #tpu.memory_space<vmem>>
    %dma_start3A_50 = tpu.memref_slice %arg3[%dma_start3A_47, %mul3A_2] : memref<26x16384xi32, #tpu.memory_space<hbm>> -> memref<1x512xi32, #tpu.memory_space<hbm>>
    %dma_start3A_51 = tpu.memref_squeeze %dma_start3A_50 : memref<1x512xi32, #tpu.memory_space<hbm>> -> memref<512xi32, #tpu.memory_space<hbm>>
    %dma_start3A_52 = arith.constant 2560 : i32
    %dma_start3A_53 = tpu.memref_slice %arg6[%dma_start3A_52] : memref<13312xi32, #tpu.memory_space<vmem>> -> memref<512xi32, #tpu.memory_space<vmem>>
    %dma_start3A_54 = tpu.memref_slice %arg3[%dma_start3A_47, %mul3A_2] : memref<26x16384xi32, #tpu.memory_space<hbm>> -> memref<1x512xi32, #tpu.memory_space<hbm>>
    %dma_start3A_55 = tpu.memref_squeeze %dma_start3A_54 : memref<1x512xi32, #tpu.memory_space<hbm>> -> memref<512xi32, #tpu.memory_space<hbm>>
    tpu.enqueue_dma source(%dma_start3A_55 : memref<512xi32, #tpu.memory_space<hbm>>) target(%dma_start3A_53 : memref<512xi32, #tpu.memory_space<vmem>>) target_semaphore(%arg10 : memref<!tpu.dma_semaphore, #tpu.memory_space<semaphore_mem>>)
    %dma_start3A_56 = arith.constant 6 : i32
    %dma_start3A_57 = arith.constant 3072 : i32
    %dma_start3A_58 = tpu.memref_slice %arg6[%dma_start3A_57] : memref<13312xi32, #tpu.memory_space<vmem>> -> memref<512xi32, #tpu.memory_space<vmem>>
    %dma_start3A_59 = tpu.memref_slice %arg3[%dma_start3A_56, %mul3A_2] : memref<26x16384xi32, #tpu.memory_space<hbm>> -> memref<1x512xi32, #tpu.memory_space<hbm>>
    %dma_start3A_60 = tpu.memref_squeeze %dma_start3A_59 : memref<1x512xi32, #tpu.memory_space<hbm>> -> memref<512xi32, #tpu.memory_space<hbm>>
    %dma_start3A_61 = arith.constant 3072 : i32
    %dma_start3A_62 = tpu.memref_slice %arg6[%dma_start3A_61] : memref<13312xi32, #tpu.memory_space<vmem>> -> memref<512xi32, #tpu.memory_space<vmem>>
    %dma_start3A_63 = tpu.memref_slice %arg3[%dma_start3A_56, %mul3A_2] : memref<26x16384xi32, #tpu.memory_space<hbm>> -> memref<1x512xi32, #tpu.memory_space<hbm>>
    %dma_start3A_64 = tpu.memref_squeeze %dma_start3A_63 : memref<1x512xi32, #tpu.memory_space<hbm>> -> memref<512xi32, #tpu.memory_space<hbm>>
    tpu.enqueue_dma source(%dma_start3A_64 : memref<512xi32, #tpu.memory_space<hbm>>) target(%dma_start3A_62 : memref<512xi32, #tpu.memory_space<vmem>>) target_semaphore(%arg10 : memref<!tpu.dma_semaphore, #tpu.memory_space<semaphore_mem>>)
    %dma_start3A_65 = arith.constant 7 : i32
    %dma_start3A_66 = arith.constant 3584 : i32
    %dma_start3A_67 = tpu.memref_slice %arg6[%dma_start3A_66] : memref<13312xi32, #tpu.memory_space<vmem>> -> memref<512xi32, #tpu.memory_space<vmem>>
    %dma_start3A_68 = tpu.memref_slice %arg3[%dma_start3A_65, %mul3A_2] : memref<26x16384xi32, #tpu.memory_space<hbm>> -> memref<1x512xi32, #tpu.memory_space<hbm>>
    %dma_start3A_69 = tpu.memref_squeeze %dma_start3A_68 : memref<1x512xi32, #tpu.memory_space<hbm>> -> memref<512xi32, #tpu.memory_space<hbm>>
    %dma_start3A_70 = arith.constant 3584 : i32
    %dma_start3A_71 = tpu.memref_slice %arg6[%dma_start3A_70] : memref<13312xi32, #tpu.memory_space<vmem>> -> memref<512xi32, #tpu.memory_space<vmem>>
    %dma_start3A_72 = tpu.memref_slice %arg3[%dma_start3A_65, %mul3A_2] : memref<26x16384xi32, #tpu.memory_space<hbm>> -> memref<1x512xi32, #tpu.memory_space<hbm>>
    %dma_start3A_73 = tpu.memref_squeeze %dma_start3A_72 : memref<1x512xi32, #tpu.memory_space<hbm>> -> memref<512xi32, #tpu.memory_space<hbm>>
    tpu.enqueue_dma source(%dma_start3A_73 : memref<512xi32, #tpu.memory_space<hbm>>) target(%dma_start3A_71 : memref<512xi32, #tpu.memory_space<vmem>>) target_semaphore(%arg10 : memref<!tpu.dma_semaphore, #tpu.memory_space<semaphore_mem>>)
    %dma_start3A_74 = arith.constant 8 : i32
    %dma_start3A_75 = arith.constant 4096 : i32
    %dma_start3A_76 = tpu.memref_slice %arg6[%dma_start3A_75] : memref<13312xi32, #tpu.memory_space<vmem>> -> memref<512xi32, #tpu.memory_space<vmem>>
    %dma_start3A_77 = tpu.memref_slice %arg3[%dma_start3A_74, %mul3A_2] : memref<26x16384xi32, #tpu.memory_space<hbm>> -> memref<1x512xi32, #tpu.memory_space<hbm>>
    %dma_start3A_78 = tpu.memref_squeeze %dma_start3A_77 : memref<1x512xi32, #tpu.memory_space<hbm>> -> memref<512xi32, #tpu.memory_space<hbm>>
    %dma_start3A_79 = arith.constant 4096 : i32
    %dma_start3A_80 = tpu.memref_slice %arg6[%dma_start3A_79] : memref<13312xi32, #tpu.memory_space<vmem>> -> memref<512xi32, #tpu.memory_space<vmem>>
    %dma_start3A_81 = tpu.memref_slice %arg3[%dma_start3A_74, %mul3A_2] : memref<26x16384xi32, #tpu.memory_space<hbm>> -> memref<1x512xi32, #tpu.memory_space<hbm>>
    %dma_start3A_82 = tpu.memref_squeeze %dma_start3A_81 : memref<1x512xi32, #tpu.memory_space<hbm>> -> memref<512xi32, #tpu.memory_space<hbm>>
    tpu.enqueue_dma source(%dma_start3A_82 : memref<512xi32, #tpu.memory_space<hbm>>) target(%dma_start3A_80 : memref<512xi32, #tpu.memory_space<vmem>>) target_semaphore(%arg10 : memref<!tpu.dma_semaphore, #tpu.memory_space<semaphore_mem>>)
    %dma_start3A_83 = arith.constant 9 : i32
    %dma_start3A_84 = arith.constant 4608 : i32
    %dma_start3A_85 = tpu.memref_slice %arg6[%dma_start3A_84] : memref<13312xi32, #tpu.memory_space<vmem>> -> memref<512xi32, #tpu.memory_space<vmem>>
    %dma_start3A_86 = tpu.memref_slice %arg3[%dma_start3A_83, %mul3A_2] : memref<26x16384xi32, #tpu.memory_space<hbm>> -> memref<1x512xi32, #tpu.memory_space<hbm>>
    %dma_start3A_87 = tpu.memref_squeeze %dma_start3A_86 : memref<1x512xi32, #tpu.memory_space<hbm>> -> memref<512xi32, #tpu.memory_space<hbm>>
    %dma_start3A_88 = arith.constant 4608 : i32
    %dma_start3A_89 = tpu.memref_slice %arg6[%dma_start3A_88] : memref<13312xi32, #tpu.memory_space<vmem>> -> memref<512xi32, #tpu.memory_space<vmem>>
    %dma_start3A_90 = tpu.memref_slice %arg3[%dma_start3A_83, %mul3A_2] : memref<26x16384xi32, #tpu.memory_space<hbm>> -> memref<1x512xi32, #tpu.memory_space<hbm>>
    %dma_start3A_91 = tpu.memref_squeeze %dma_start3A_90 : memref<1x512xi32, #tpu.memory_space<hbm>> -> memref<512xi32, #tpu.memory_space<hbm>>
    tpu.enqueue_dma source(%dma_start3A_91 : memref<512xi32, #tpu.memory_space<hbm>>) target(%dma_start3A_89 : memref<512xi32, #tpu.memory_space<vmem>>) target_semaphore(%arg10 : memref<!tpu.dma_semaphore, #tpu.memory_space<semaphore_mem>>)
    %dma_start3A_92 = arith.constant 10 : i32
    %dma_start3A_93 = arith.constant 5120 : i32
    %dma_start3A_94 = tpu.memref_slice %arg6[%dma_start3A_93] : memref<13312xi32, #tpu.memory_space<vmem>> -> memref<512xi32, #tpu.memory_space<vmem>>
    %dma_start3A_95 = tpu.memref_slice %arg3[%dma_start3A_92, %mul3A_2] : memref<26x16384xi32, #tpu.memory_space<hbm>> -> memref<1x512xi32, #tpu.memory_space<hbm>>
    %dma_start3A_96 = tpu.memref_squeeze %dma_start3A_95 : memref<1x512xi32, #tpu.memory_space<hbm>> -> memref<512xi32, #tpu.memory_space<hbm>>
    %dma_start3A_97 = arith.constant 5120 : i32
    %dma_start3A_98 = tpu.memref_slice %arg6[%dma_start3A_97] : memref<13312xi32, #tpu.memory_space<vmem>> -> memref<512xi32, #tpu.memory_space<vmem>>
    %dma_start3A_99 = tpu.memref_slice %arg3[%dma_start3A_92, %mul3A_2] : memref<26x16384xi32, #tpu.memory_space<hbm>> -> memref<1x512xi32, #tpu.memory_space<hbm>>
    %dma_start3A_100 = tpu.memref_squeeze %dma_start3A_99 : memref<1x512xi32, #tpu.memory_space<hbm>> -> memref<512xi32, #tpu.memory_space<hbm>>
    tpu.enqueue_dma source(%dma_start3A_100 : memref<512xi32, #tpu.memory_space<hbm>>) target(%dma_start3A_98 : memref<512xi32, #tpu.memory_space<vmem>>) target_semaphore(%arg10 : memref<!tpu.dma_semaphore, #tpu.memory_space<semaphore_mem>>)
    %dma_start3A_101 = arith.constant 11 : i32
    %dma_start3A_102 = arith.constant 5632 : i32
    %dma_start3A_103 = tpu.memref_slice %arg6[%dma_start3A_102] : memref<13312xi32, #tpu.memory_space<vmem>> -> memref<512xi32, #tpu.memory_space<vmem>>
    %dma_start3A_104 = tpu.memref_slice %arg3[%dma_start3A_101, %mul3A_2] : memref<26x16384xi32, #tpu.memory_space<hbm>> -> memref<1x512xi32, #tpu.memory_space<hbm>>
    %dma_start3A_105 = tpu.memref_squeeze %dma_start3A_104 : memref<1x512xi32, #tpu.memory_space<hbm>> -> memref<512xi32, #tpu.memory_space<hbm>>
    %dma_start3A_106 = arith.constant 5632 : i32
    %dma_start3A_107 = tpu.memref_slice %arg6[%dma_start3A_106] : memref<13312xi32, #tpu.memory_space<vmem>> -> memref<512xi32, #tpu.memory_space<vmem>>
    %dma_start3A_108 = tpu.memref_slice %arg3[%dma_start3A_101, %mul3A_2] : memref<26x16384xi32, #tpu.memory_space<hbm>> -> memref<1x512xi32, #tpu.memory_space<hbm>>
    %dma_start3A_109 = tpu.memref_squeeze %dma_start3A_108 : memref<1x512xi32, #tpu.memory_space<hbm>> -> memref<512xi32, #tpu.memory_space<hbm>>
    tpu.enqueue_dma source(%dma_start3A_109 : memref<512xi32, #tpu.memory_space<hbm>>) target(%dma_start3A_107 : memref<512xi32, #tpu.memory_space<vmem>>) target_semaphore(%arg10 : memref<!tpu.dma_semaphore, #tpu.memory_space<semaphore_mem>>)
    %dma_start3A_110 = arith.constant 12 : i32
    %dma_start3A_111 = arith.constant 6144 : i32
    %dma_start3A_112 = tpu.memref_slice %arg6[%dma_start3A_111] : memref<13312xi32, #tpu.memory_space<vmem>> -> memref<512xi32, #tpu.memory_space<vmem>>
    %dma_start3A_113 = tpu.memref_slice %arg3[%dma_start3A_110, %mul3A_2] : memref<26x16384xi32, #tpu.memory_space<hbm>> -> memref<1x512xi32, #tpu.memory_space<hbm>>
    %dma_start3A_114 = tpu.memref_squeeze %dma_start3A_113 : memref<1x512xi32, #tpu.memory_space<hbm>> -> memref<512xi32, #tpu.memory_space<hbm>>
    %dma_start3A_115 = arith.constant 6144 : i32
    %dma_start3A_116 = tpu.memref_slice %arg6[%dma_start3A_115] : memref<13312xi32, #tpu.memory_space<vmem>> -> memref<512xi32, #tpu.memory_space<vmem>>
    %dma_start3A_117 = tpu.memref_slice %arg3[%dma_start3A_110, %mul3A_2] : memref<26x16384xi32, #tpu.memory_space<hbm>> -> memref<1x512xi32, #tpu.memory_space<hbm>>
    %dma_start3A_118 = tpu.memref_squeeze %dma_start3A_117 : memref<1x512xi32, #tpu.memory_space<hbm>> -> memref<512xi32, #tpu.memory_space<hbm>>
    tpu.enqueue_dma source(%dma_start3A_118 : memref<512xi32, #tpu.memory_space<hbm>>) target(%dma_start3A_116 : memref<512xi32, #tpu.memory_space<vmem>>) target_semaphore(%arg10 : memref<!tpu.dma_semaphore, #tpu.memory_space<semaphore_mem>>)
    %dma_start3A_119 = arith.constant 13 : i32
    %dma_start3A_120 = arith.constant 6656 : i32
    %dma_start3A_121 = tpu.memref_slice %arg6[%dma_start3A_120] : memref<13312xi32, #tpu.memory_space<vmem>> -> memref<512xi32, #tpu.memory_space<vmem>>
    %dma_start3A_122 = tpu.memref_slice %arg3[%dma_start3A_119, %mul3A_2] : memref<26x16384xi32, #tpu.memory_space<hbm>> -> memref<1x512xi32, #tpu.memory_space<hbm>>
    %dma_start3A_123 = tpu.memref_squeeze %dma_start3A_122 : memref<1x512xi32, #tpu.memory_space<hbm>> -> memref<512xi32, #tpu.memory_space<hbm>>
    %dma_start3A_124 = arith.constant 6656 : i32
    %dma_start3A_125 = tpu.memref_slice %arg6[%dma_start3A_124] : memref<13312xi32, #tpu.memory_space<vmem>> -> memref<512xi32, #tpu.memory_space<vmem>>
    %dma_start3A_126 = tpu.memref_slice %arg3[%dma_start3A_119, %mul3A_2] : memref<26x16384xi32, #tpu.memory_space<hbm>> -> memref<1x512xi32, #tpu.memory_space<hbm>>
    %dma_start3A_127 = tpu.memref_squeeze %dma_start3A_126 : memref<1x512xi32, #tpu.memory_space<hbm>> -> memref<512xi32, #tpu.memory_space<hbm>>
    tpu.enqueue_dma source(%dma_start3A_127 : memref<512xi32, #tpu.memory_space<hbm>>) target(%dma_start3A_125 : memref<512xi32, #tpu.memory_space<vmem>>) target_semaphore(%arg10 : memref<!tpu.dma_semaphore, #tpu.memory_space<semaphore_mem>>)
    %dma_start3A_128 = arith.constant 14 : i32
    %dma_start3A_129 = arith.constant 7168 : i32
    %dma_start3A_130 = tpu.memref_slice %arg6[%dma_start3A_129] : memref<13312xi32, #tpu.memory_space<vmem>> -> memref<512xi32, #tpu.memory_space<vmem>>
    %dma_start3A_131 = tpu.memref_slice %arg3[%dma_start3A_128, %mul3A_2] : memref<26x16384xi32, #tpu.memory_space<hbm>> -> memref<1x512xi32, #tpu.memory_space<hbm>>
    %dma_start3A_132 = tpu.memref_squeeze %dma_start3A_131 : memref<1x512xi32, #tpu.memory_space<hbm>> -> memref<512xi32, #tpu.memory_space<hbm>>
    %dma_start3A_133 = arith.constant 7168 : i32
    %dma_start3A_134 = tpu.memref_slice %arg6[%dma_start3A_133] : memref<13312xi32, #tpu.memory_space<vmem>> -> memref<512xi32, #tpu.memory_space<vmem>>
    %dma_start3A_135 = tpu.memref_slice %arg3[%dma_start3A_128, %mul3A_2] : memref<26x16384xi32, #tpu.memory_space<hbm>> -> memref<1x512xi32, #tpu.memory_space<hbm>>
    %dma_start3A_136 = tpu.memref_squeeze %dma_start3A_135 : memref<1x512xi32, #tpu.memory_space<hbm>> -> memref<512xi32, #tpu.memory_space<hbm>>
    tpu.enqueue_dma source(%dma_start3A_136 : memref<512xi32, #tpu.memory_space<hbm>>) target(%dma_start3A_134 : memref<512xi32, #tpu.memory_space<vmem>>) target_semaphore(%arg10 : memref<!tpu.dma_semaphore, #tpu.memory_space<semaphore_mem>>)
    %dma_start3A_137 = arith.constant 15 : i32
    %dma_start3A_138 = arith.constant 7680 : i32
    %dma_start3A_139 = tpu.memref_slice %arg6[%dma_start3A_138] : memref<13312xi32, #tpu.memory_space<vmem>> -> memref<512xi32, #tpu.memory_space<vmem>>
    %dma_start3A_140 = tpu.memref_slice %arg3[%dma_start3A_137, %mul3A_2] : memref<26x16384xi32, #tpu.memory_space<hbm>> -> memref<1x512xi32, #tpu.memory_space<hbm>>
    %dma_start3A_141 = tpu.memref_squeeze %dma_start3A_140 : memref<1x512xi32, #tpu.memory_space<hbm>> -> memref<512xi32, #tpu.memory_space<hbm>>
    %dma_start3A_142 = arith.constant 7680 : i32
    %dma_start3A_143 = tpu.memref_slice %arg6[%dma_start3A_142] : memref<13312xi32, #tpu.memory_space<vmem>> -> memref<512xi32, #tpu.memory_space<vmem>>
    %dma_start3A_144 = tpu.memref_slice %arg3[%dma_start3A_137, %mul3A_2] : memref<26x16384xi32, #tpu.memory_space<hbm>> -> memref<1x512xi32, #tpu.memory_space<hbm>>
    %dma_start3A_145 = tpu.memref_squeeze %dma_start3A_144 : memref<1x512xi32, #tpu.memory_space<hbm>> -> memref<512xi32, #tpu.memory_space<hbm>>
    tpu.enqueue_dma source(%dma_start3A_145 : memref<512xi32, #tpu.memory_space<hbm>>) target(%dma_start3A_143 : memref<512xi32, #tpu.memory_space<vmem>>) target_semaphore(%arg10 : memref<!tpu.dma_semaphore, #tpu.memory_space<semaphore_mem>>)
    %dma_start3A_146 = arith.constant 16 : i32
    %dma_start3A_147 = arith.constant 8192 : i32
    %dma_start3A_148 = tpu.memref_slice %arg6[%dma_start3A_147] : memref<13312xi32, #tpu.memory_space<vmem>> -> memref<512xi32, #tpu.memory_space<vmem>>
    %dma_start3A_149 = tpu.memref_slice %arg3[%dma_start3A_146, %mul3A_2] : memref<26x16384xi32, #tpu.memory_space<hbm>> -> memref<1x512xi32, #tpu.memory_space<hbm>>
    %dma_start3A_150 = tpu.memref_squeeze %dma_start3A_149 : memref<1x512xi32, #tpu.memory_space<hbm>> -> memref<512xi32, #tpu.memory_space<hbm>>
    %dma_start3A_151 = arith.constant 8192 : i32
    %dma_start3A_152 = tpu.memref_slice %arg6[%dma_start3A_151] : memref<13312xi32, #tpu.memory_space<vmem>> -> memref<512xi32, #tpu.memory_space<vmem>>
    %dma_start3A_153 = tpu.memref_slice %arg3[%dma_start3A_146, %mul3A_2] : memref<26x16384xi32, #tpu.memory_space<hbm>> -> memref<1x512xi32, #tpu.memory_space<hbm>>
    %dma_start3A_154 = tpu.memref_squeeze %dma_start3A_153 : memref<1x512xi32, #tpu.memory_space<hbm>> -> memref<512xi32, #tpu.memory_space<hbm>>
    tpu.enqueue_dma source(%dma_start3A_154 : memref<512xi32, #tpu.memory_space<hbm>>) target(%dma_start3A_152 : memref<512xi32, #tpu.memory_space<vmem>>) target_semaphore(%arg10 : memref<!tpu.dma_semaphore, #tpu.memory_space<semaphore_mem>>)
    %dma_start3A_155 = arith.constant 17 : i32
    %dma_start3A_156 = arith.constant 8704 : i32
    %dma_start3A_157 = tpu.memref_slice %arg6[%dma_start3A_156] : memref<13312xi32, #tpu.memory_space<vmem>> -> memref<512xi32, #tpu.memory_space<vmem>>
    %dma_start3A_158 = tpu.memref_slice %arg3[%dma_start3A_155, %mul3A_2] : memref<26x16384xi32, #tpu.memory_space<hbm>> -> memref<1x512xi32, #tpu.memory_space<hbm>>
    %dma_start3A_159 = tpu.memref_squeeze %dma_start3A_158 : memref<1x512xi32, #tpu.memory_space<hbm>> -> memref<512xi32, #tpu.memory_space<hbm>>
    %dma_start3A_160 = arith.constant 8704 : i32
    %dma_start3A_161 = tpu.memref_slice %arg6[%dma_start3A_160] : memref<13312xi32, #tpu.memory_space<vmem>> -> memref<512xi32, #tpu.memory_space<vmem>>
    %dma_start3A_162 = tpu.memref_slice %arg3[%dma_start3A_155, %mul3A_2] : memref<26x16384xi32, #tpu.memory_space<hbm>> -> memref<1x512xi32, #tpu.memory_space<hbm>>
    %dma_start3A_163 = tpu.memref_squeeze %dma_start3A_162 : memref<1x512xi32, #tpu.memory_space<hbm>> -> memref<512xi32, #tpu.memory_space<hbm>>
    tpu.enqueue_dma source(%dma_start3A_163 : memref<512xi32, #tpu.memory_space<hbm>>) target(%dma_start3A_161 : memref<512xi32, #tpu.memory_space<vmem>>) target_semaphore(%arg10 : memref<!tpu.dma_semaphore, #tpu.memory_space<semaphore_mem>>)
    %dma_start3A_164 = arith.constant 18 : i32
    %dma_start3A_165 = arith.constant 9216 : i32
    %dma_start3A_166 = tpu.memref_slice %arg6[%dma_start3A_165] : memref<13312xi32, #tpu.memory_space<vmem>> -> memref<512xi32, #tpu.memory_space<vmem>>
    %dma_start3A_167 = tpu.memref_slice %arg3[%dma_start3A_164, %mul3A_2] : memref<26x16384xi32, #tpu.memory_space<hbm>> -> memref<1x512xi32, #tpu.memory_space<hbm>>
    %dma_start3A_168 = tpu.memref_squeeze %dma_start3A_167 : memref<1x512xi32, #tpu.memory_space<hbm>> -> memref<512xi32, #tpu.memory_space<hbm>>
    %dma_start3A_169 = arith.constant 9216 : i32
    %dma_start3A_170 = tpu.memref_slice %arg6[%dma_start3A_169] : memref<13312xi32, #tpu.memory_space<vmem>> -> memref<512xi32, #tpu.memory_space<vmem>>
    %dma_start3A_171 = tpu.memref_slice %arg3[%dma_start3A_164, %mul3A_2] : memref<26x16384xi32, #tpu.memory_space<hbm>> -> memref<1x512xi32, #tpu.memory_space<hbm>>
    %dma_start3A_172 = tpu.memref_squeeze %dma_start3A_171 : memref<1x512xi32, #tpu.memory_space<hbm>> -> memref<512xi32, #tpu.memory_space<hbm>>
    tpu.enqueue_dma source(%dma_start3A_172 : memref<512xi32, #tpu.memory_space<hbm>>) target(%dma_start3A_170 : memref<512xi32, #tpu.memory_space<vmem>>) target_semaphore(%arg10 : memref<!tpu.dma_semaphore, #tpu.memory_space<semaphore_mem>>)
    %dma_start3A_173 = arith.constant 19 : i32
    %dma_start3A_174 = arith.constant 9728 : i32
    %dma_start3A_175 = tpu.memref_slice %arg6[%dma_start3A_174] : memref<13312xi32, #tpu.memory_space<vmem>> -> memref<512xi32, #tpu.memory_space<vmem>>
    %dma_start3A_176 = tpu.memref_slice %arg3[%dma_start3A_173, %mul3A_2] : memref<26x16384xi32, #tpu.memory_space<hbm>> -> memref<1x512xi32, #tpu.memory_space<hbm>>
    %dma_start3A_177 = tpu.memref_squeeze %dma_start3A_176 : memref<1x512xi32, #tpu.memory_space<hbm>> -> memref<512xi32, #tpu.memory_space<hbm>>
    %dma_start3A_178 = arith.constant 9728 : i32
    %dma_start3A_179 = tpu.memref_slice %arg6[%dma_start3A_178] : memref<13312xi32, #tpu.memory_space<vmem>> -> memref<512xi32, #tpu.memory_space<vmem>>
    %dma_start3A_180 = tpu.memref_slice %arg3[%dma_start3A_173, %mul3A_2] : memref<26x16384xi32, #tpu.memory_space<hbm>> -> memref<1x512xi32, #tpu.memory_space<hbm>>
    %dma_start3A_181 = tpu.memref_squeeze %dma_start3A_180 : memref<1x512xi32, #tpu.memory_space<hbm>> -> memref<512xi32, #tpu.memory_space<hbm>>
    tpu.enqueue_dma source(%dma_start3A_181 : memref<512xi32, #tpu.memory_space<hbm>>) target(%dma_start3A_179 : memref<512xi32, #tpu.memory_space<vmem>>) target_semaphore(%arg10 : memref<!tpu.dma_semaphore, #tpu.memory_space<semaphore_mem>>)
    %dma_start3A_182 = arith.constant 20 : i32
    %dma_start3A_183 = arith.constant 10240 : i32
    %dma_start3A_184 = tpu.memref_slice %arg6[%dma_start3A_183] : memref<13312xi32, #tpu.memory_space<vmem>> -> memref<512xi32, #tpu.memory_space<vmem>>
    %dma_start3A_185 = tpu.memref_slice %arg3[%dma_start3A_182, %mul3A_2] : memref<26x16384xi32, #tpu.memory_space<hbm>> -> memref<1x512xi32, #tpu.memory_space<hbm>>
    %dma_start3A_186 = tpu.memref_squeeze %dma_start3A_185 : memref<1x512xi32, #tpu.memory_space<hbm>> -> memref<512xi32, #tpu.memory_space<hbm>>
    %dma_start3A_187 = arith.constant 10240 : i32
    %dma_start3A_188 = tpu.memref_slice %arg6[%dma_start3A_187] : memref<13312xi32, #tpu.memory_space<vmem>> -> memref<512xi32, #tpu.memory_space<vmem>>
    %dma_start3A_189 = tpu.memref_slice %arg3[%dma_start3A_182, %mul3A_2] : memref<26x16384xi32, #tpu.memory_space<hbm>> -> memref<1x512xi32, #tpu.memory_space<hbm>>
    %dma_start3A_190 = tpu.memref_squeeze %dma_start3A_189 : memref<1x512xi32, #tpu.memory_space<hbm>> -> memref<512xi32, #tpu.memory_space<hbm>>
    tpu.enqueue_dma source(%dma_start3A_190 : memref<512xi32, #tpu.memory_space<hbm>>) target(%dma_start3A_188 : memref<512xi32, #tpu.memory_space<vmem>>) target_semaphore(%arg10 : memref<!tpu.dma_semaphore, #tpu.memory_space<semaphore_mem>>)
    %dma_start3A_191 = arith.constant 21 : i32
    %dma_start3A_192 = arith.constant 10752 : i32
    %dma_start3A_193 = tpu.memref_slice %arg6[%dma_start3A_192] : memref<13312xi32, #tpu.memory_space<vmem>> -> memref<512xi32, #tpu.memory_space<vmem>>
    %dma_start3A_194 = tpu.memref_slice %arg3[%dma_start3A_191, %mul3A_2] : memref<26x16384xi32, #tpu.memory_space<hbm>> -> memref<1x512xi32, #tpu.memory_space<hbm>>
    %dma_start3A_195 = tpu.memref_squeeze %dma_start3A_194 : memref<1x512xi32, #tpu.memory_space<hbm>> -> memref<512xi32, #tpu.memory_space<hbm>>
    %dma_start3A_196 = arith.constant 10752 : i32
    %dma_start3A_197 = tpu.memref_slice %arg6[%dma_start3A_196] : memref<13312xi32, #tpu.memory_space<vmem>> -> memref<512xi32, #tpu.memory_space<vmem>>
    %dma_start3A_198 = tpu.memref_slice %arg3[%dma_start3A_191, %mul3A_2] : memref<26x16384xi32, #tpu.memory_space<hbm>> -> memref<1x512xi32, #tpu.memory_space<hbm>>
    %dma_start3A_199 = tpu.memref_squeeze %dma_start3A_198 : memref<1x512xi32, #tpu.memory_space<hbm>> -> memref<512xi32, #tpu.memory_space<hbm>>
    tpu.enqueue_dma source(%dma_start3A_199 : memref<512xi32, #tpu.memory_space<hbm>>) target(%dma_start3A_197 : memref<512xi32, #tpu.memory_space<vmem>>) target_semaphore(%arg10 : memref<!tpu.dma_semaphore, #tpu.memory_space<semaphore_mem>>)
    %dma_start3A_200 = arith.constant 22 : i32
    %dma_start3A_201 = arith.constant 11264 : i32
    %dma_start3A_202 = tpu.memref_slice %arg6[%dma_start3A_201] : memref<13312xi32, #tpu.memory_space<vmem>> -> memref<512xi32, #tpu.memory_space<vmem>>
    %dma_start3A_203 = tpu.memref_slice %arg3[%dma_start3A_200, %mul3A_2] : memref<26x16384xi32, #tpu.memory_space<hbm>> -> memref<1x512xi32, #tpu.memory_space<hbm>>
    %dma_start3A_204 = tpu.memref_squeeze %dma_start3A_203 : memref<1x512xi32, #tpu.memory_space<hbm>> -> memref<512xi32, #tpu.memory_space<hbm>>
    %dma_start3A_205 = arith.constant 11264 : i32
    %dma_start3A_206 = tpu.memref_slice %arg6[%dma_start3A_205] : memref<13312xi32, #tpu.memory_space<vmem>> -> memref<512xi32, #tpu.memory_space<vmem>>
    %dma_start3A_207 = tpu.memref_slice %arg3[%dma_start3A_200, %mul3A_2] : memref<26x16384xi32, #tpu.memory_space<hbm>> -> memref<1x512xi32, #tpu.memory_space<hbm>>
    %dma_start3A_208 = tpu.memref_squeeze %dma_start3A_207 : memref<1x512xi32, #tpu.memory_space<hbm>> -> memref<512xi32, #tpu.memory_space<hbm>>
    tpu.enqueue_dma source(%dma_start3A_208 : memref<512xi32, #tpu.memory_space<hbm>>) target(%dma_start3A_206 : memref<512xi32, #tpu.memory_space<vmem>>) target_semaphore(%arg10 : memref<!tpu.dma_semaphore, #tpu.memory_space<semaphore_mem>>)
    %dma_start3A_209 = arith.constant 23 : i32
    %dma_start3A_210 = arith.constant 11776 : i32
    %dma_start3A_211 = tpu.memref_slice %arg6[%dma_start3A_210] : memref<13312xi32, #tpu.memory_space<vmem>> -> memref<512xi32, #tpu.memory_space<vmem>>
    %dma_start3A_212 = tpu.memref_slice %arg3[%dma_start3A_209, %mul3A_2] : memref<26x16384xi32, #tpu.memory_space<hbm>> -> memref<1x512xi32, #tpu.memory_space<hbm>>
    %dma_start3A_213 = tpu.memref_squeeze %dma_start3A_212 : memref<1x512xi32, #tpu.memory_space<hbm>> -> memref<512xi32, #tpu.memory_space<hbm>>
    %dma_start3A_214 = arith.constant 11776 : i32
    %dma_start3A_215 = tpu.memref_slice %arg6[%dma_start3A_214] : memref<13312xi32, #tpu.memory_space<vmem>> -> memref<512xi32, #tpu.memory_space<vmem>>
    %dma_start3A_216 = tpu.memref_slice %arg3[%dma_start3A_209, %mul3A_2] : memref<26x16384xi32, #tpu.memory_space<hbm>> -> memref<1x512xi32, #tpu.memory_space<hbm>>
    %dma_start3A_217 = tpu.memref_squeeze %dma_start3A_216 : memref<1x512xi32, #tpu.memory_space<hbm>> -> memref<512xi32, #tpu.memory_space<hbm>>
    tpu.enqueue_dma source(%dma_start3A_217 : memref<512xi32, #tpu.memory_space<hbm>>) target(%dma_start3A_215 : memref<512xi32, #tpu.memory_space<vmem>>) target_semaphore(%arg10 : memref<!tpu.dma_semaphore, #tpu.memory_space<semaphore_mem>>)
    %dma_start3A_218 = arith.constant 24 : i32
    %dma_start3A_219 = arith.constant 12288 : i32
    %dma_start3A_220 = tpu.memref_slice %arg6[%dma_start3A_219] : memref<13312xi32, #tpu.memory_space<vmem>> -> memref<512xi32, #tpu.memory_space<vmem>>
    %dma_start3A_221 = tpu.memref_slice %arg3[%dma_start3A_218, %mul3A_2] : memref<26x16384xi32, #tpu.memory_space<hbm>> -> memref<1x512xi32, #tpu.memory_space<hbm>>
    %dma_start3A_222 = tpu.memref_squeeze %dma_start3A_221 : memref<1x512xi32, #tpu.memory_space<hbm>> -> memref<512xi32, #tpu.memory_space<hbm>>
    %dma_start3A_223 = arith.constant 12288 : i32
    %dma_start3A_224 = tpu.memref_slice %arg6[%dma_start3A_223] : memref<13312xi32, #tpu.memory_space<vmem>> -> memref<512xi32, #tpu.memory_space<vmem>>
    %dma_start3A_225 = tpu.memref_slice %arg3[%dma_start3A_218, %mul3A_2] : memref<26x16384xi32, #tpu.memory_space<hbm>> -> memref<1x512xi32, #tpu.memory_space<hbm>>
    %dma_start3A_226 = tpu.memref_squeeze %dma_start3A_225 : memref<1x512xi32, #tpu.memory_space<hbm>> -> memref<512xi32, #tpu.memory_space<hbm>>
    tpu.enqueue_dma source(%dma_start3A_226 : memref<512xi32, #tpu.memory_space<hbm>>) target(%dma_start3A_224 : memref<512xi32, #tpu.memory_space<vmem>>) target_semaphore(%arg10 : memref<!tpu.dma_semaphore, #tpu.memory_space<semaphore_mem>>)
    %dma_start3A_227 = arith.constant 25 : i32
    %dma_start3A_228 = arith.constant 12800 : i32
    %dma_start3A_229 = tpu.memref_slice %arg6[%dma_start3A_228] : memref<13312xi32, #tpu.memory_space<vmem>> -> memref<512xi32, #tpu.memory_space<vmem>>
    %dma_start3A_230 = tpu.memref_slice %arg3[%dma_start3A_227, %mul3A_2] : memref<26x16384xi32, #tpu.memory_space<hbm>> -> memref<1x512xi32, #tpu.memory_space<hbm>>
    %dma_start3A_231 = tpu.memref_squeeze %dma_start3A_230 : memref<1x512xi32, #tpu.memory_space<hbm>> -> memref<512xi32, #tpu.memory_space<hbm>>
    %dma_start3A_232 = arith.constant 12800 : i32
    %dma_start3A_233 = tpu.memref_slice %arg6[%dma_start3A_232] : memref<13312xi32, #tpu.memory_space<vmem>> -> memref<512xi32, #tpu.memory_space<vmem>>
    %dma_start3A_234 = tpu.memref_slice %arg3[%dma_start3A_227, %mul3A_2] : memref<26x16384xi32, #tpu.memory_space<hbm>> -> memref<1x512xi32, #tpu.memory_space<hbm>>
    %dma_start3A_235 = tpu.memref_squeeze %dma_start3A_234 : memref<1x512xi32, #tpu.memory_space<hbm>> -> memref<512xi32, #tpu.memory_space<hbm>>
    tpu.enqueue_dma source(%dma_start3A_235 : memref<512xi32, #tpu.memory_space<hbm>>) target(%dma_start3A_233 : memref<512xi32, #tpu.memory_space<vmem>>) target_semaphore(%arg10 : memref<!tpu.dma_semaphore, #tpu.memory_space<semaphore_mem>>)
    "tpu.region"() ({
      %run_scoped3A = tpu.sem_alloc : memref<!tpu.dma_semaphore, #tpu.memory_space<semaphore_mem>>
      tpu.enqueue_dma source(%arg4 : memref<16xf32, #tpu.memory_space<hbm>>) target(%arg9 : memref<16xf32, #tpu.memory_space<vmem>>) target_semaphore(%run_scoped3A : memref<!tpu.dma_semaphore, #tpu.memory_space<semaphore_mem>>)
      tpu.wait_dma2 semaphore(%run_scoped3A : memref<!tpu.dma_semaphore, #tpu.memory_space<semaphore_mem>>) src(%arg4 : memref<16xf32, #tpu.memory_space<hbm>>) dst(%arg9 : memref<16xf32, #tpu.memory_space<vmem>>)
      tpu.yield
    }) : () -> ()
    %dma_wait3A = arith.constant 0 : i32
    %dma_wait3A_236 = arith.constant 0 : i32
    %dma_wait3A_237 = tpu.memref_slice %arg6[%dma_wait3A_236] : memref<13312xi32, #tpu.memory_space<vmem>> -> memref<512xi32, #tpu.memory_space<vmem>>
    %dma_wait3A_238 = tpu.memref_slice %arg3[%dma_wait3A, %mul3A_2] : memref<26x16384xi32, #tpu.memory_space<hbm>> -> memref<1x512xi32, #tpu.memory_space<hbm>>
    %dma_wait3A_239 = tpu.memref_squeeze %dma_wait3A_238 : memref<1x512xi32, #tpu.memory_space<hbm>> -> memref<512xi32, #tpu.memory_space<hbm>>
    %dma_wait3A_240 = arith.constant 0 : i32
    %dma_wait3A_241 = tpu.memref_slice %arg6[%dma_wait3A_240] : memref<13312xi32, #tpu.memory_space<vmem>> -> memref<512xi32, #tpu.memory_space<vmem>>
    %dma_wait3A_242 = tpu.memref_slice %arg3[%dma_wait3A, %mul3A_2] : memref<26x16384xi32, #tpu.memory_space<hbm>> -> memref<1x512xi32, #tpu.memory_space<hbm>>
    %dma_wait3A_243 = tpu.memref_squeeze %dma_wait3A_242 : memref<1x512xi32, #tpu.memory_space<hbm>> -> memref<512xi32, #tpu.memory_space<hbm>>
    tpu.wait_dma2 semaphore(%arg10 : memref<!tpu.dma_semaphore, #tpu.memory_space<semaphore_mem>>) src(%dma_wait3A_243 : memref<512xi32, #tpu.memory_space<hbm>>) dst(%dma_wait3A_241 : memref<512xi32, #tpu.memory_space<vmem>>)
    %dma_wait3A_244 = arith.constant 1 : i32
    %dma_wait3A_245 = arith.constant 512 : i32
    %dma_wait3A_246 = tpu.memref_slice %arg6[%dma_wait3A_245] : memref<13312xi32, #tpu.memory_space<vmem>> -> memref<512xi32, #tpu.memory_space<vmem>>
    %dma_wait3A_247 = tpu.memref_slice %arg3[%dma_wait3A_244, %mul3A_2] : memref<26x16384xi32, #tpu.memory_space<hbm>> -> memref<1x512xi32, #tpu.memory_space<hbm>>
    %dma_wait3A_248 = tpu.memref_squeeze %dma_wait3A_247 : memref<1x512xi32, #tpu.memory_space<hbm>> -> memref<512xi32, #tpu.memory_space<hbm>>
    %dma_wait3A_249 = arith.constant 512 : i32
    %dma_wait3A_250 = tpu.memref_slice %arg6[%dma_wait3A_249] : memref<13312xi32, #tpu.memory_space<vmem>> -> memref<512xi32, #tpu.memory_space<vmem>>
    %dma_wait3A_251 = tpu.memref_slice %arg3[%dma_wait3A_244, %mul3A_2] : memref<26x16384xi32, #tpu.memory_space<hbm>> -> memref<1x512xi32, #tpu.memory_space<hbm>>
    %dma_wait3A_252 = tpu.memref_squeeze %dma_wait3A_251 : memref<1x512xi32, #tpu.memory_space<hbm>> -> memref<512xi32, #tpu.memory_space<hbm>>
    tpu.wait_dma2 semaphore(%arg10 : memref<!tpu.dma_semaphore, #tpu.memory_space<semaphore_mem>>) src(%dma_wait3A_252 : memref<512xi32, #tpu.memory_space<hbm>>) dst(%dma_wait3A_250 : memref<512xi32, #tpu.memory_space<vmem>>)
    %dma_wait3A_253 = arith.constant 2 : i32
    %dma_wait3A_254 = arith.constant 1024 : i32
    %dma_wait3A_255 = tpu.memref_slice %arg6[%dma_wait3A_254] : memref<13312xi32, #tpu.memory_space<vmem>> -> memref<512xi32, #tpu.memory_space<vmem>>
    %dma_wait3A_256 = tpu.memref_slice %arg3[%dma_wait3A_253, %mul3A_2] : memref<26x16384xi32, #tpu.memory_space<hbm>> -> memref<1x512xi32, #tpu.memory_space<hbm>>
    %dma_wait3A_257 = tpu.memref_squeeze %dma_wait3A_256 : memref<1x512xi32, #tpu.memory_space<hbm>> -> memref<512xi32, #tpu.memory_space<hbm>>
    %dma_wait3A_258 = arith.constant 1024 : i32
    %dma_wait3A_259 = tpu.memref_slice %arg6[%dma_wait3A_258] : memref<13312xi32, #tpu.memory_space<vmem>> -> memref<512xi32, #tpu.memory_space<vmem>>
    %dma_wait3A_260 = tpu.memref_slice %arg3[%dma_wait3A_253, %mul3A_2] : memref<26x16384xi32, #tpu.memory_space<hbm>> -> memref<1x512xi32, #tpu.memory_space<hbm>>
    %dma_wait3A_261 = tpu.memref_squeeze %dma_wait3A_260 : memref<1x512xi32, #tpu.memory_space<hbm>> -> memref<512xi32, #tpu.memory_space<hbm>>
    tpu.wait_dma2 semaphore(%arg10 : memref<!tpu.dma_semaphore, #tpu.memory_space<semaphore_mem>>) src(%dma_wait3A_261 : memref<512xi32, #tpu.memory_space<hbm>>) dst(%dma_wait3A_259 : memref<512xi32, #tpu.memory_space<vmem>>)
    %dma_wait3A_262 = arith.constant 3 : i32
    %dma_wait3A_263 = arith.constant 1536 : i32
    %dma_wait3A_264 = tpu.memref_slice %arg6[%dma_wait3A_263] : memref<13312xi32, #tpu.memory_space<vmem>> -> memref<512xi32, #tpu.memory_space<vmem>>
    %dma_wait3A_265 = tpu.memref_slice %arg3[%dma_wait3A_262, %mul3A_2] : memref<26x16384xi32, #tpu.memory_space<hbm>> -> memref<1x512xi32, #tpu.memory_space<hbm>>
    %dma_wait3A_266 = tpu.memref_squeeze %dma_wait3A_265 : memref<1x512xi32, #tpu.memory_space<hbm>> -> memref<512xi32, #tpu.memory_space<hbm>>
    %dma_wait3A_267 = arith.constant 1536 : i32
    %dma_wait3A_268 = tpu.memref_slice %arg6[%dma_wait3A_267] : memref<13312xi32, #tpu.memory_space<vmem>> -> memref<512xi32, #tpu.memory_space<vmem>>
    %dma_wait3A_269 = tpu.memref_slice %arg3[%dma_wait3A_262, %mul3A_2] : memref<26x16384xi32, #tpu.memory_space<hbm>> -> memref<1x512xi32, #tpu.memory_space<hbm>>
    %dma_wait3A_270 = tpu.memref_squeeze %dma_wait3A_269 : memref<1x512xi32, #tpu.memory_space<hbm>> -> memref<512xi32, #tpu.memory_space<hbm>>
    tpu.wait_dma2 semaphore(%arg10 : memref<!tpu.dma_semaphore, #tpu.memory_space<semaphore_mem>>) src(%dma_wait3A_270 : memref<512xi32, #tpu.memory_space<hbm>>) dst(%dma_wait3A_268 : memref<512xi32, #tpu.memory_space<vmem>>)
    %dma_wait3A_271 = arith.constant 4 : i32
    %dma_wait3A_272 = arith.constant 2048 : i32
    %dma_wait3A_273 = tpu.memref_slice %arg6[%dma_wait3A_272] : memref<13312xi32, #tpu.memory_space<vmem>> -> memref<512xi32, #tpu.memory_space<vmem>>
    %dma_wait3A_274 = tpu.memref_slice %arg3[%dma_wait3A_271, %mul3A_2] : memref<26x16384xi32, #tpu.memory_space<hbm>> -> memref<1x512xi32, #tpu.memory_space<hbm>>
    %dma_wait3A_275 = tpu.memref_squeeze %dma_wait3A_274 : memref<1x512xi32, #tpu.memory_space<hbm>> -> memref<512xi32, #tpu.memory_space<hbm>>
    %dma_wait3A_276 = arith.constant 2048 : i32
    %dma_wait3A_277 = tpu.memref_slice %arg6[%dma_wait3A_276] : memref<13312xi32, #tpu.memory_space<vmem>> -> memref<512xi32, #tpu.memory_space<vmem>>
    %dma_wait3A_278 = tpu.memref_slice %arg3[%dma_wait3A_271, %mul3A_2] : memref<26x16384xi32, #tpu.memory_space<hbm>> -> memref<1x512xi32, #tpu.memory_space<hbm>>
    %dma_wait3A_279 = tpu.memref_squeeze %dma_wait3A_278 : memref<1x512xi32, #tpu.memory_space<hbm>> -> memref<512xi32, #tpu.memory_space<hbm>>
    tpu.wait_dma2 semaphore(%arg10 : memref<!tpu.dma_semaphore, #tpu.memory_space<semaphore_mem>>) src(%dma_wait3A_279 : memref<512xi32, #tpu.memory_space<hbm>>) dst(%dma_wait3A_277 : memref<512xi32, #tpu.memory_space<vmem>>)
    %dma_wait3A_280 = arith.constant 5 : i32
    %dma_wait3A_281 = arith.constant 2560 : i32
    %dma_wait3A_282 = tpu.memref_slice %arg6[%dma_wait3A_281] : memref<13312xi32, #tpu.memory_space<vmem>> -> memref<512xi32, #tpu.memory_space<vmem>>
    %dma_wait3A_283 = tpu.memref_slice %arg3[%dma_wait3A_280, %mul3A_2] : memref<26x16384xi32, #tpu.memory_space<hbm>> -> memref<1x512xi32, #tpu.memory_space<hbm>>
    %dma_wait3A_284 = tpu.memref_squeeze %dma_wait3A_283 : memref<1x512xi32, #tpu.memory_space<hbm>> -> memref<512xi32, #tpu.memory_space<hbm>>
    %dma_wait3A_285 = arith.constant 2560 : i32
    %dma_wait3A_286 = tpu.memref_slice %arg6[%dma_wait3A_285] : memref<13312xi32, #tpu.memory_space<vmem>> -> memref<512xi32, #tpu.memory_space<vmem>>
    %dma_wait3A_287 = tpu.memref_slice %arg3[%dma_wait3A_280, %mul3A_2] : memref<26x16384xi32, #tpu.memory_space<hbm>> -> memref<1x512xi32, #tpu.memory_space<hbm>>
    %dma_wait3A_288 = tpu.memref_squeeze %dma_wait3A_287 : memref<1x512xi32, #tpu.memory_space<hbm>> -> memref<512xi32, #tpu.memory_space<hbm>>
    tpu.wait_dma2 semaphore(%arg10 : memref<!tpu.dma_semaphore, #tpu.memory_space<semaphore_mem>>) src(%dma_wait3A_288 : memref<512xi32, #tpu.memory_space<hbm>>) dst(%dma_wait3A_286 : memref<512xi32, #tpu.memory_space<vmem>>)
    %dma_wait3A_289 = arith.constant 6 : i32
    %dma_wait3A_290 = arith.constant 3072 : i32
    %dma_wait3A_291 = tpu.memref_slice %arg6[%dma_wait3A_290] : memref<13312xi32, #tpu.memory_space<vmem>> -> memref<512xi32, #tpu.memory_space<vmem>>
    %dma_wait3A_292 = tpu.memref_slice %arg3[%dma_wait3A_289, %mul3A_2] : memref<26x16384xi32, #tpu.memory_space<hbm>> -> memref<1x512xi32, #tpu.memory_space<hbm>>
    %dma_wait3A_293 = tpu.memref_squeeze %dma_wait3A_292 : memref<1x512xi32, #tpu.memory_space<hbm>> -> memref<512xi32, #tpu.memory_space<hbm>>
    %dma_wait3A_294 = arith.constant 3072 : i32
    %dma_wait3A_295 = tpu.memref_slice %arg6[%dma_wait3A_294] : memref<13312xi32, #tpu.memory_space<vmem>> -> memref<512xi32, #tpu.memory_space<vmem>>
    %dma_wait3A_296 = tpu.memref_slice %arg3[%dma_wait3A_289, %mul3A_2] : memref<26x16384xi32, #tpu.memory_space<hbm>> -> memref<1x512xi32, #tpu.memory_space<hbm>>
    %dma_wait3A_297 = tpu.memref_squeeze %dma_wait3A_296 : memref<1x512xi32, #tpu.memory_space<hbm>> -> memref<512xi32, #tpu.memory_space<hbm>>
    tpu.wait_dma2 semaphore(%arg10 : memref<!tpu.dma_semaphore, #tpu.memory_space<semaphore_mem>>) src(%dma_wait3A_297 : memref<512xi32, #tpu.memory_space<hbm>>) dst(%dma_wait3A_295 : memref<512xi32, #tpu.memory_space<vmem>>)
    %dma_wait3A_298 = arith.constant 7 : i32
    %dma_wait3A_299 = arith.constant 3584 : i32
    %dma_wait3A_300 = tpu.memref_slice %arg6[%dma_wait3A_299] : memref<13312xi32, #tpu.memory_space<vmem>> -> memref<512xi32, #tpu.memory_space<vmem>>
    %dma_wait3A_301 = tpu.memref_slice %arg3[%dma_wait3A_298, %mul3A_2] : memref<26x16384xi32, #tpu.memory_space<hbm>> -> memref<1x512xi32, #tpu.memory_space<hbm>>
    %dma_wait3A_302 = tpu.memref_squeeze %dma_wait3A_301 : memref<1x512xi32, #tpu.memory_space<hbm>> -> memref<512xi32, #tpu.memory_space<hbm>>
    %dma_wait3A_303 = arith.constant 3584 : i32
    %dma_wait3A_304 = tpu.memref_slice %arg6[%dma_wait3A_303] : memref<13312xi32, #tpu.memory_space<vmem>> -> memref<512xi32, #tpu.memory_space<vmem>>
    %dma_wait3A_305 = tpu.memref_slice %arg3[%dma_wait3A_298, %mul3A_2] : memref<26x16384xi32, #tpu.memory_space<hbm>> -> memref<1x512xi32, #tpu.memory_space<hbm>>
    %dma_wait3A_306 = tpu.memref_squeeze %dma_wait3A_305 : memref<1x512xi32, #tpu.memory_space<hbm>> -> memref<512xi32, #tpu.memory_space<hbm>>
    tpu.wait_dma2 semaphore(%arg10 : memref<!tpu.dma_semaphore, #tpu.memory_space<semaphore_mem>>) src(%dma_wait3A_306 : memref<512xi32, #tpu.memory_space<hbm>>) dst(%dma_wait3A_304 : memref<512xi32, #tpu.memory_space<vmem>>)
    %dma_wait3A_307 = arith.constant 8 : i32
    %dma_wait3A_308 = arith.constant 4096 : i32
    %dma_wait3A_309 = tpu.memref_slice %arg6[%dma_wait3A_308] : memref<13312xi32, #tpu.memory_space<vmem>> -> memref<512xi32, #tpu.memory_space<vmem>>
    %dma_wait3A_310 = tpu.memref_slice %arg3[%dma_wait3A_307, %mul3A_2] : memref<26x16384xi32, #tpu.memory_space<hbm>> -> memref<1x512xi32, #tpu.memory_space<hbm>>
    %dma_wait3A_311 = tpu.memref_squeeze %dma_wait3A_310 : memref<1x512xi32, #tpu.memory_space<hbm>> -> memref<512xi32, #tpu.memory_space<hbm>>
    %dma_wait3A_312 = arith.constant 4096 : i32
    %dma_wait3A_313 = tpu.memref_slice %arg6[%dma_wait3A_312] : memref<13312xi32, #tpu.memory_space<vmem>> -> memref<512xi32, #tpu.memory_space<vmem>>
    %dma_wait3A_314 = tpu.memref_slice %arg3[%dma_wait3A_307, %mul3A_2] : memref<26x16384xi32, #tpu.memory_space<hbm>> -> memref<1x512xi32, #tpu.memory_space<hbm>>
    %dma_wait3A_315 = tpu.memref_squeeze %dma_wait3A_314 : memref<1x512xi32, #tpu.memory_space<hbm>> -> memref<512xi32, #tpu.memory_space<hbm>>
    tpu.wait_dma2 semaphore(%arg10 : memref<!tpu.dma_semaphore, #tpu.memory_space<semaphore_mem>>) src(%dma_wait3A_315 : memref<512xi32, #tpu.memory_space<hbm>>) dst(%dma_wait3A_313 : memref<512xi32, #tpu.memory_space<vmem>>)
    %dma_wait3A_316 = arith.constant 9 : i32
    %dma_wait3A_317 = arith.constant 4608 : i32
    %dma_wait3A_318 = tpu.memref_slice %arg6[%dma_wait3A_317] : memref<13312xi32, #tpu.memory_space<vmem>> -> memref<512xi32, #tpu.memory_space<vmem>>
    %dma_wait3A_319 = tpu.memref_slice %arg3[%dma_wait3A_316, %mul3A_2] : memref<26x16384xi32, #tpu.memory_space<hbm>> -> memref<1x512xi32, #tpu.memory_space<hbm>>
    %dma_wait3A_320 = tpu.memref_squeeze %dma_wait3A_319 : memref<1x512xi32, #tpu.memory_space<hbm>> -> memref<512xi32, #tpu.memory_space<hbm>>
    %dma_wait3A_321 = arith.constant 4608 : i32
    %dma_wait3A_322 = tpu.memref_slice %arg6[%dma_wait3A_321] : memref<13312xi32, #tpu.memory_space<vmem>> -> memref<512xi32, #tpu.memory_space<vmem>>
    %dma_wait3A_323 = tpu.memref_slice %arg3[%dma_wait3A_316, %mul3A_2] : memref<26x16384xi32, #tpu.memory_space<hbm>> -> memref<1x512xi32, #tpu.memory_space<hbm>>
    %dma_wait3A_324 = tpu.memref_squeeze %dma_wait3A_323 : memref<1x512xi32, #tpu.memory_space<hbm>> -> memref<512xi32, #tpu.memory_space<hbm>>
    tpu.wait_dma2 semaphore(%arg10 : memref<!tpu.dma_semaphore, #tpu.memory_space<semaphore_mem>>) src(%dma_wait3A_324 : memref<512xi32, #tpu.memory_space<hbm>>) dst(%dma_wait3A_322 : memref<512xi32, #tpu.memory_space<vmem>>)
    %dma_wait3A_325 = arith.constant 10 : i32
    %dma_wait3A_326 = arith.constant 5120 : i32
    %dma_wait3A_327 = tpu.memref_slice %arg6[%dma_wait3A_326] : memref<13312xi32, #tpu.memory_space<vmem>> -> memref<512xi32, #tpu.memory_space<vmem>>
    %dma_wait3A_328 = tpu.memref_slice %arg3[%dma_wait3A_325, %mul3A_2] : memref<26x16384xi32, #tpu.memory_space<hbm>> -> memref<1x512xi32, #tpu.memory_space<hbm>>
    %dma_wait3A_329 = tpu.memref_squeeze %dma_wait3A_328 : memref<1x512xi32, #tpu.memory_space<hbm>> -> memref<512xi32, #tpu.memory_space<hbm>>
    %dma_wait3A_330 = arith.constant 5120 : i32
    %dma_wait3A_331 = tpu.memref_slice %arg6[%dma_wait3A_330] : memref<13312xi32, #tpu.memory_space<vmem>> -> memref<512xi32, #tpu.memory_space<vmem>>
    %dma_wait3A_332 = tpu.memref_slice %arg3[%dma_wait3A_325, %mul3A_2] : memref<26x16384xi32, #tpu.memory_space<hbm>> -> memref<1x512xi32, #tpu.memory_space<hbm>>
    %dma_wait3A_333 = tpu.memref_squeeze %dma_wait3A_332 : memref<1x512xi32, #tpu.memory_space<hbm>> -> memref<512xi32, #tpu.memory_space<hbm>>
    tpu.wait_dma2 semaphore(%arg10 : memref<!tpu.dma_semaphore, #tpu.memory_space<semaphore_mem>>) src(%dma_wait3A_333 : memref<512xi32, #tpu.memory_space<hbm>>) dst(%dma_wait3A_331 : memref<512xi32, #tpu.memory_space<vmem>>)
    %dma_wait3A_334 = arith.constant 11 : i32
    %dma_wait3A_335 = arith.constant 5632 : i32
    %dma_wait3A_336 = tpu.memref_slice %arg6[%dma_wait3A_335] : memref<13312xi32, #tpu.memory_space<vmem>> -> memref<512xi32, #tpu.memory_space<vmem>>
    %dma_wait3A_337 = tpu.memref_slice %arg3[%dma_wait3A_334, %mul3A_2] : memref<26x16384xi32, #tpu.memory_space<hbm>> -> memref<1x512xi32, #tpu.memory_space<hbm>>
    %dma_wait3A_338 = tpu.memref_squeeze %dma_wait3A_337 : memref<1x512xi32, #tpu.memory_space<hbm>> -> memref<512xi32, #tpu.memory_space<hbm>>
    %dma_wait3A_339 = arith.constant 5632 : i32
    %dma_wait3A_340 = tpu.memref_slice %arg6[%dma_wait3A_339] : memref<13312xi32, #tpu.memory_space<vmem>> -> memref<512xi32, #tpu.memory_space<vmem>>
    %dma_wait3A_341 = tpu.memref_slice %arg3[%dma_wait3A_334, %mul3A_2] : memref<26x16384xi32, #tpu.memory_space<hbm>> -> memref<1x512xi32, #tpu.memory_space<hbm>>
    %dma_wait3A_342 = tpu.memref_squeeze %dma_wait3A_341 : memref<1x512xi32, #tpu.memory_space<hbm>> -> memref<512xi32, #tpu.memory_space<hbm>>
    tpu.wait_dma2 semaphore(%arg10 : memref<!tpu.dma_semaphore, #tpu.memory_space<semaphore_mem>>) src(%dma_wait3A_342 : memref<512xi32, #tpu.memory_space<hbm>>) dst(%dma_wait3A_340 : memref<512xi32, #tpu.memory_space<vmem>>)
    %dma_wait3A_343 = arith.constant 12 : i32
    %dma_wait3A_344 = arith.constant 6144 : i32
    %dma_wait3A_345 = tpu.memref_slice %arg6[%dma_wait3A_344] : memref<13312xi32, #tpu.memory_space<vmem>> -> memref<512xi32, #tpu.memory_space<vmem>>
    %dma_wait3A_346 = tpu.memref_slice %arg3[%dma_wait3A_343, %mul3A_2] : memref<26x16384xi32, #tpu.memory_space<hbm>> -> memref<1x512xi32, #tpu.memory_space<hbm>>
    %dma_wait3A_347 = tpu.memref_squeeze %dma_wait3A_346 : memref<1x512xi32, #tpu.memory_space<hbm>> -> memref<512xi32, #tpu.memory_space<hbm>>
    %dma_wait3A_348 = arith.constant 6144 : i32
    %dma_wait3A_349 = tpu.memref_slice %arg6[%dma_wait3A_348] : memref<13312xi32, #tpu.memory_space<vmem>> -> memref<512xi32, #tpu.memory_space<vmem>>
    %dma_wait3A_350 = tpu.memref_slice %arg3[%dma_wait3A_343, %mul3A_2] : memref<26x16384xi32, #tpu.memory_space<hbm>> -> memref<1x512xi32, #tpu.memory_space<hbm>>
    %dma_wait3A_351 = tpu.memref_squeeze %dma_wait3A_350 : memref<1x512xi32, #tpu.memory_space<hbm>> -> memref<512xi32, #tpu.memory_space<hbm>>
    tpu.wait_dma2 semaphore(%arg10 : memref<!tpu.dma_semaphore, #tpu.memory_space<semaphore_mem>>) src(%dma_wait3A_351 : memref<512xi32, #tpu.memory_space<hbm>>) dst(%dma_wait3A_349 : memref<512xi32, #tpu.memory_space<vmem>>)
    %dma_wait3A_352 = arith.constant 13 : i32
    %dma_wait3A_353 = arith.constant 6656 : i32
    %dma_wait3A_354 = tpu.memref_slice %arg6[%dma_wait3A_353] : memref<13312xi32, #tpu.memory_space<vmem>> -> memref<512xi32, #tpu.memory_space<vmem>>
    %dma_wait3A_355 = tpu.memref_slice %arg3[%dma_wait3A_352, %mul3A_2] : memref<26x16384xi32, #tpu.memory_space<hbm>> -> memref<1x512xi32, #tpu.memory_space<hbm>>
    %dma_wait3A_356 = tpu.memref_squeeze %dma_wait3A_355 : memref<1x512xi32, #tpu.memory_space<hbm>> -> memref<512xi32, #tpu.memory_space<hbm>>
    %dma_wait3A_357 = arith.constant 6656 : i32
    %dma_wait3A_358 = tpu.memref_slice %arg6[%dma_wait3A_357] : memref<13312xi32, #tpu.memory_space<vmem>> -> memref<512xi32, #tpu.memory_space<vmem>>
    %dma_wait3A_359 = tpu.memref_slice %arg3[%dma_wait3A_352, %mul3A_2] : memref<26x16384xi32, #tpu.memory_space<hbm>> -> memref<1x512xi32, #tpu.memory_space<hbm>>
    %dma_wait3A_360 = tpu.memref_squeeze %dma_wait3A_359 : memref<1x512xi32, #tpu.memory_space<hbm>> -> memref<512xi32, #tpu.memory_space<hbm>>
    tpu.wait_dma2 semaphore(%arg10 : memref<!tpu.dma_semaphore, #tpu.memory_space<semaphore_mem>>) src(%dma_wait3A_360 : memref<512xi32, #tpu.memory_space<hbm>>) dst(%dma_wait3A_358 : memref<512xi32, #tpu.memory_space<vmem>>)
    %dma_wait3A_361 = arith.constant 14 : i32
    %dma_wait3A_362 = arith.constant 7168 : i32
    %dma_wait3A_363 = tpu.memref_slice %arg6[%dma_wait3A_362] : memref<13312xi32, #tpu.memory_space<vmem>> -> memref<512xi32, #tpu.memory_space<vmem>>
    %dma_wait3A_364 = tpu.memref_slice %arg3[%dma_wait3A_361, %mul3A_2] : memref<26x16384xi32, #tpu.memory_space<hbm>> -> memref<1x512xi32, #tpu.memory_space<hbm>>
    %dma_wait3A_365 = tpu.memref_squeeze %dma_wait3A_364 : memref<1x512xi32, #tpu.memory_space<hbm>> -> memref<512xi32, #tpu.memory_space<hbm>>
    %dma_wait3A_366 = arith.constant 7168 : i32
    %dma_wait3A_367 = tpu.memref_slice %arg6[%dma_wait3A_366] : memref<13312xi32, #tpu.memory_space<vmem>> -> memref<512xi32, #tpu.memory_space<vmem>>
    %dma_wait3A_368 = tpu.memref_slice %arg3[%dma_wait3A_361, %mul3A_2] : memref<26x16384xi32, #tpu.memory_space<hbm>> -> memref<1x512xi32, #tpu.memory_space<hbm>>
    %dma_wait3A_369 = tpu.memref_squeeze %dma_wait3A_368 : memref<1x512xi32, #tpu.memory_space<hbm>> -> memref<512xi32, #tpu.memory_space<hbm>>
    tpu.wait_dma2 semaphore(%arg10 : memref<!tpu.dma_semaphore, #tpu.memory_space<semaphore_mem>>) src(%dma_wait3A_369 : memref<512xi32, #tpu.memory_space<hbm>>) dst(%dma_wait3A_367 : memref<512xi32, #tpu.memory_space<vmem>>)
    %dma_wait3A_370 = arith.constant 15 : i32
    %dma_wait3A_371 = arith.constant 7680 : i32
    %dma_wait3A_372 = tpu.memref_slice %arg6[%dma_wait3A_371] : memref<13312xi32, #tpu.memory_space<vmem>> -> memref<512xi32, #tpu.memory_space<vmem>>
    %dma_wait3A_373 = tpu.memref_slice %arg3[%dma_wait3A_370, %mul3A_2] : memref<26x16384xi32, #tpu.memory_space<hbm>> -> memref<1x512xi32, #tpu.memory_space<hbm>>
    %dma_wait3A_374 = tpu.memref_squeeze %dma_wait3A_373 : memref<1x512xi32, #tpu.memory_space<hbm>> -> memref<512xi32, #tpu.memory_space<hbm>>
    %dma_wait3A_375 = arith.constant 7680 : i32
    %dma_wait3A_376 = tpu.memref_slice %arg6[%dma_wait3A_375] : memref<13312xi32, #tpu.memory_space<vmem>> -> memref<512xi32, #tpu.memory_space<vmem>>
    %dma_wait3A_377 = tpu.memref_slice %arg3[%dma_wait3A_370, %mul3A_2] : memref<26x16384xi32, #tpu.memory_space<hbm>> -> memref<1x512xi32, #tpu.memory_space<hbm>>
    %dma_wait3A_378 = tpu.memref_squeeze %dma_wait3A_377 : memref<1x512xi32, #tpu.memory_space<hbm>> -> memref<512xi32, #tpu.memory_space<hbm>>
    tpu.wait_dma2 semaphore(%arg10 : memref<!tpu.dma_semaphore, #tpu.memory_space<semaphore_mem>>) src(%dma_wait3A_378 : memref<512xi32, #tpu.memory_space<hbm>>) dst(%dma_wait3A_376 : memref<512xi32, #tpu.memory_space<vmem>>)
    %dma_wait3A_379 = arith.constant 16 : i32
    %dma_wait3A_380 = arith.constant 8192 : i32
    %dma_wait3A_381 = tpu.memref_slice %arg6[%dma_wait3A_380] : memref<13312xi32, #tpu.memory_space<vmem>> -> memref<512xi32, #tpu.memory_space<vmem>>
    %dma_wait3A_382 = tpu.memref_slice %arg3[%dma_wait3A_379, %mul3A_2] : memref<26x16384xi32, #tpu.memory_space<hbm>> -> memref<1x512xi32, #tpu.memory_space<hbm>>
    %dma_wait3A_383 = tpu.memref_squeeze %dma_wait3A_382 : memref<1x512xi32, #tpu.memory_space<hbm>> -> memref<512xi32, #tpu.memory_space<hbm>>
    %dma_wait3A_384 = arith.constant 8192 : i32
    %dma_wait3A_385 = tpu.memref_slice %arg6[%dma_wait3A_384] : memref<13312xi32, #tpu.memory_space<vmem>> -> memref<512xi32, #tpu.memory_space<vmem>>
    %dma_wait3A_386 = tpu.memref_slice %arg3[%dma_wait3A_379, %mul3A_2] : memref<26x16384xi32, #tpu.memory_space<hbm>> -> memref<1x512xi32, #tpu.memory_space<hbm>>
    %dma_wait3A_387 = tpu.memref_squeeze %dma_wait3A_386 : memref<1x512xi32, #tpu.memory_space<hbm>> -> memref<512xi32, #tpu.memory_space<hbm>>
    tpu.wait_dma2 semaphore(%arg10 : memref<!tpu.dma_semaphore, #tpu.memory_space<semaphore_mem>>) src(%dma_wait3A_387 : memref<512xi32, #tpu.memory_space<hbm>>) dst(%dma_wait3A_385 : memref<512xi32, #tpu.memory_space<vmem>>)
    %dma_wait3A_388 = arith.constant 17 : i32
    %dma_wait3A_389 = arith.constant 8704 : i32
    %dma_wait3A_390 = tpu.memref_slice %arg6[%dma_wait3A_389] : memref<13312xi32, #tpu.memory_space<vmem>> -> memref<512xi32, #tpu.memory_space<vmem>>
    %dma_wait3A_391 = tpu.memref_slice %arg3[%dma_wait3A_388, %mul3A_2] : memref<26x16384xi32, #tpu.memory_space<hbm>> -> memref<1x512xi32, #tpu.memory_space<hbm>>
    %dma_wait3A_392 = tpu.memref_squeeze %dma_wait3A_391 : memref<1x512xi32, #tpu.memory_space<hbm>> -> memref<512xi32, #tpu.memory_space<hbm>>
    %dma_wait3A_393 = arith.constant 8704 : i32
    %dma_wait3A_394 = tpu.memref_slice %arg6[%dma_wait3A_393] : memref<13312xi32, #tpu.memory_space<vmem>> -> memref<512xi32, #tpu.memory_space<vmem>>
    %dma_wait3A_395 = tpu.memref_slice %arg3[%dma_wait3A_388, %mul3A_2] : memref<26x16384xi32, #tpu.memory_space<hbm>> -> memref<1x512xi32, #tpu.memory_space<hbm>>
    %dma_wait3A_396 = tpu.memref_squeeze %dma_wait3A_395 : memref<1x512xi32, #tpu.memory_space<hbm>> -> memref<512xi32, #tpu.memory_space<hbm>>
    tpu.wait_dma2 semaphore(%arg10 : memref<!tpu.dma_semaphore, #tpu.memory_space<semaphore_mem>>) src(%dma_wait3A_396 : memref<512xi32, #tpu.memory_space<hbm>>) dst(%dma_wait3A_394 : memref<512xi32, #tpu.memory_space<vmem>>)
    %dma_wait3A_397 = arith.constant 18 : i32
    %dma_wait3A_398 = arith.constant 9216 : i32
    %dma_wait3A_399 = tpu.memref_slice %arg6[%dma_wait3A_398] : memref<13312xi32, #tpu.memory_space<vmem>> -> memref<512xi32, #tpu.memory_space<vmem>>
    %dma_wait3A_400 = tpu.memref_slice %arg3[%dma_wait3A_397, %mul3A_2] : memref<26x16384xi32, #tpu.memory_space<hbm>> -> memref<1x512xi32, #tpu.memory_space<hbm>>
    %dma_wait3A_401 = tpu.memref_squeeze %dma_wait3A_400 : memref<1x512xi32, #tpu.memory_space<hbm>> -> memref<512xi32, #tpu.memory_space<hbm>>
    %dma_wait3A_402 = arith.constant 9216 : i32
    %dma_wait3A_403 = tpu.memref_slice %arg6[%dma_wait3A_402] : memref<13312xi32, #tpu.memory_space<vmem>> -> memref<512xi32, #tpu.memory_space<vmem>>
    %dma_wait3A_404 = tpu.memref_slice %arg3[%dma_wait3A_397, %mul3A_2] : memref<26x16384xi32, #tpu.memory_space<hbm>> -> memref<1x512xi32, #tpu.memory_space<hbm>>
    %dma_wait3A_405 = tpu.memref_squeeze %dma_wait3A_404 : memref<1x512xi32, #tpu.memory_space<hbm>> -> memref<512xi32, #tpu.memory_space<hbm>>
    tpu.wait_dma2 semaphore(%arg10 : memref<!tpu.dma_semaphore, #tpu.memory_space<semaphore_mem>>) src(%dma_wait3A_405 : memref<512xi32, #tpu.memory_space<hbm>>) dst(%dma_wait3A_403 : memref<512xi32, #tpu.memory_space<vmem>>)
    %dma_wait3A_406 = arith.constant 19 : i32
    %dma_wait3A_407 = arith.constant 9728 : i32
    %dma_wait3A_408 = tpu.memref_slice %arg6[%dma_wait3A_407] : memref<13312xi32, #tpu.memory_space<vmem>> -> memref<512xi32, #tpu.memory_space<vmem>>
    %dma_wait3A_409 = tpu.memref_slice %arg3[%dma_wait3A_406, %mul3A_2] : memref<26x16384xi32, #tpu.memory_space<hbm>> -> memref<1x512xi32, #tpu.memory_space<hbm>>
    %dma_wait3A_410 = tpu.memref_squeeze %dma_wait3A_409 : memref<1x512xi32, #tpu.memory_space<hbm>> -> memref<512xi32, #tpu.memory_space<hbm>>
    %dma_wait3A_411 = arith.constant 9728 : i32
    %dma_wait3A_412 = tpu.memref_slice %arg6[%dma_wait3A_411] : memref<13312xi32, #tpu.memory_space<vmem>> -> memref<512xi32, #tpu.memory_space<vmem>>
    %dma_wait3A_413 = tpu.memref_slice %arg3[%dma_wait3A_406, %mul3A_2] : memref<26x16384xi32, #tpu.memory_space<hbm>> -> memref<1x512xi32, #tpu.memory_space<hbm>>
    %dma_wait3A_414 = tpu.memref_squeeze %dma_wait3A_413 : memref<1x512xi32, #tpu.memory_space<hbm>> -> memref<512xi32, #tpu.memory_space<hbm>>
    tpu.wait_dma2 semaphore(%arg10 : memref<!tpu.dma_semaphore, #tpu.memory_space<semaphore_mem>>) src(%dma_wait3A_414 : memref<512xi32, #tpu.memory_space<hbm>>) dst(%dma_wait3A_412 : memref<512xi32, #tpu.memory_space<vmem>>)
    %dma_wait3A_415 = arith.constant 20 : i32
    %dma_wait3A_416 = arith.constant 10240 : i32
    %dma_wait3A_417 = tpu.memref_slice %arg6[%dma_wait3A_416] : memref<13312xi32, #tpu.memory_space<vmem>> -> memref<512xi32, #tpu.memory_space<vmem>>
    %dma_wait3A_418 = tpu.memref_slice %arg3[%dma_wait3A_415, %mul3A_2] : memref<26x16384xi32, #tpu.memory_space<hbm>> -> memref<1x512xi32, #tpu.memory_space<hbm>>
    %dma_wait3A_419 = tpu.memref_squeeze %dma_wait3A_418 : memref<1x512xi32, #tpu.memory_space<hbm>> -> memref<512xi32, #tpu.memory_space<hbm>>
    %dma_wait3A_420 = arith.constant 10240 : i32
    %dma_wait3A_421 = tpu.memref_slice %arg6[%dma_wait3A_420] : memref<13312xi32, #tpu.memory_space<vmem>> -> memref<512xi32, #tpu.memory_space<vmem>>
    %dma_wait3A_422 = tpu.memref_slice %arg3[%dma_wait3A_415, %mul3A_2] : memref<26x16384xi32, #tpu.memory_space<hbm>> -> memref<1x512xi32, #tpu.memory_space<hbm>>
    %dma_wait3A_423 = tpu.memref_squeeze %dma_wait3A_422 : memref<1x512xi32, #tpu.memory_space<hbm>> -> memref<512xi32, #tpu.memory_space<hbm>>
    tpu.wait_dma2 semaphore(%arg10 : memref<!tpu.dma_semaphore, #tpu.memory_space<semaphore_mem>>) src(%dma_wait3A_423 : memref<512xi32, #tpu.memory_space<hbm>>) dst(%dma_wait3A_421 : memref<512xi32, #tpu.memory_space<vmem>>)
    %dma_wait3A_424 = arith.constant 21 : i32
    %dma_wait3A_425 = arith.constant 10752 : i32
    %dma_wait3A_426 = tpu.memref_slice %arg6[%dma_wait3A_425] : memref<13312xi32, #tpu.memory_space<vmem>> -> memref<512xi32, #tpu.memory_space<vmem>>
    %dma_wait3A_427 = tpu.memref_slice %arg3[%dma_wait3A_424, %mul3A_2] : memref<26x16384xi32, #tpu.memory_space<hbm>> -> memref<1x512xi32, #tpu.memory_space<hbm>>
    %dma_wait3A_428 = tpu.memref_squeeze %dma_wait3A_427 : memref<1x512xi32, #tpu.memory_space<hbm>> -> memref<512xi32, #tpu.memory_space<hbm>>
    %dma_wait3A_429 = arith.constant 10752 : i32
    %dma_wait3A_430 = tpu.memref_slice %arg6[%dma_wait3A_429] : memref<13312xi32, #tpu.memory_space<vmem>> -> memref<512xi32, #tpu.memory_space<vmem>>
    %dma_wait3A_431 = tpu.memref_slice %arg3[%dma_wait3A_424, %mul3A_2] : memref<26x16384xi32, #tpu.memory_space<hbm>> -> memref<1x512xi32, #tpu.memory_space<hbm>>
    %dma_wait3A_432 = tpu.memref_squeeze %dma_wait3A_431 : memref<1x512xi32, #tpu.memory_space<hbm>> -> memref<512xi32, #tpu.memory_space<hbm>>
    tpu.wait_dma2 semaphore(%arg10 : memref<!tpu.dma_semaphore, #tpu.memory_space<semaphore_mem>>) src(%dma_wait3A_432 : memref<512xi32, #tpu.memory_space<hbm>>) dst(%dma_wait3A_430 : memref<512xi32, #tpu.memory_space<vmem>>)
    %dma_wait3A_433 = arith.constant 22 : i32
    %dma_wait3A_434 = arith.constant 11264 : i32
    %dma_wait3A_435 = tpu.memref_slice %arg6[%dma_wait3A_434] : memref<13312xi32, #tpu.memory_space<vmem>> -> memref<512xi32, #tpu.memory_space<vmem>>
    %dma_wait3A_436 = tpu.memref_slice %arg3[%dma_wait3A_433, %mul3A_2] : memref<26x16384xi32, #tpu.memory_space<hbm>> -> memref<1x512xi32, #tpu.memory_space<hbm>>
    %dma_wait3A_437 = tpu.memref_squeeze %dma_wait3A_436 : memref<1x512xi32, #tpu.memory_space<hbm>> -> memref<512xi32, #tpu.memory_space<hbm>>
    %dma_wait3A_438 = arith.constant 11264 : i32
    %dma_wait3A_439 = tpu.memref_slice %arg6[%dma_wait3A_438] : memref<13312xi32, #tpu.memory_space<vmem>> -> memref<512xi32, #tpu.memory_space<vmem>>
    %dma_wait3A_440 = tpu.memref_slice %arg3[%dma_wait3A_433, %mul3A_2] : memref<26x16384xi32, #tpu.memory_space<hbm>> -> memref<1x512xi32, #tpu.memory_space<hbm>>
    %dma_wait3A_441 = tpu.memref_squeeze %dma_wait3A_440 : memref<1x512xi32, #tpu.memory_space<hbm>> -> memref<512xi32, #tpu.memory_space<hbm>>
    tpu.wait_dma2 semaphore(%arg10 : memref<!tpu.dma_semaphore, #tpu.memory_space<semaphore_mem>>) src(%dma_wait3A_441 : memref<512xi32, #tpu.memory_space<hbm>>) dst(%dma_wait3A_439 : memref<512xi32, #tpu.memory_space<vmem>>)
    %dma_wait3A_442 = arith.constant 23 : i32
    %dma_wait3A_443 = arith.constant 11776 : i32
    %dma_wait3A_444 = tpu.memref_slice %arg6[%dma_wait3A_443] : memref<13312xi32, #tpu.memory_space<vmem>> -> memref<512xi32, #tpu.memory_space<vmem>>
    %dma_wait3A_445 = tpu.memref_slice %arg3[%dma_wait3A_442, %mul3A_2] : memref<26x16384xi32, #tpu.memory_space<hbm>> -> memref<1x512xi32, #tpu.memory_space<hbm>>
    %dma_wait3A_446 = tpu.memref_squeeze %dma_wait3A_445 : memref<1x512xi32, #tpu.memory_space<hbm>> -> memref<512xi32, #tpu.memory_space<hbm>>
    %dma_wait3A_447 = arith.constant 11776 : i32
    %dma_wait3A_448 = tpu.memref_slice %arg6[%dma_wait3A_447] : memref<13312xi32, #tpu.memory_space<vmem>> -> memref<512xi32, #tpu.memory_space<vmem>>
    %dma_wait3A_449 = tpu.memref_slice %arg3[%dma_wait3A_442, %mul3A_2] : memref<26x16384xi32, #tpu.memory_space<hbm>> -> memref<1x512xi32, #tpu.memory_space<hbm>>
    %dma_wait3A_450 = tpu.memref_squeeze %dma_wait3A_449 : memref<1x512xi32, #tpu.memory_space<hbm>> -> memref<512xi32, #tpu.memory_space<hbm>>
    tpu.wait_dma2 semaphore(%arg10 : memref<!tpu.dma_semaphore, #tpu.memory_space<semaphore_mem>>) src(%dma_wait3A_450 : memref<512xi32, #tpu.memory_space<hbm>>) dst(%dma_wait3A_448 : memref<512xi32, #tpu.memory_space<vmem>>)
    %dma_wait3A_451 = arith.constant 24 : i32
    %dma_wait3A_452 = arith.constant 12288 : i32
    %dma_wait3A_453 = tpu.memref_slice %arg6[%dma_wait3A_452] : memref<13312xi32, #tpu.memory_space<vmem>> -> memref<512xi32, #tpu.memory_space<vmem>>
    %dma_wait3A_454 = tpu.memref_slice %arg3[%dma_wait3A_451, %mul3A_2] : memref<26x16384xi32, #tpu.memory_space<hbm>> -> memref<1x512xi32, #tpu.memory_space<hbm>>
    %dma_wait3A_455 = tpu.memref_squeeze %dma_wait3A_454 : memref<1x512xi32, #tpu.memory_space<hbm>> -> memref<512xi32, #tpu.memory_space<hbm>>
    %dma_wait3A_456 = arith.constant 12288 : i32
    %dma_wait3A_457 = tpu.memref_slice %arg6[%dma_wait3A_456] : memref<13312xi32, #tpu.memory_space<vmem>> -> memref<512xi32, #tpu.memory_space<vmem>>
    %dma_wait3A_458 = tpu.memref_slice %arg3[%dma_wait3A_451, %mul3A_2] : memref<26x16384xi32, #tpu.memory_space<hbm>> -> memref<1x512xi32, #tpu.memory_space<hbm>>
    %dma_wait3A_459 = tpu.memref_squeeze %dma_wait3A_458 : memref<1x512xi32, #tpu.memory_space<hbm>> -> memref<512xi32, #tpu.memory_space<hbm>>
    tpu.wait_dma2 semaphore(%arg10 : memref<!tpu.dma_semaphore, #tpu.memory_space<semaphore_mem>>) src(%dma_wait3A_459 : memref<512xi32, #tpu.memory_space<hbm>>) dst(%dma_wait3A_457 : memref<512xi32, #tpu.memory_space<vmem>>)
    %dma_wait3A_460 = arith.constant 25 : i32
    %dma_wait3A_461 = arith.constant 12800 : i32
    %dma_wait3A_462 = tpu.memref_slice %arg6[%dma_wait3A_461] : memref<13312xi32, #tpu.memory_space<vmem>> -> memref<512xi32, #tpu.memory_space<vmem>>
    %dma_wait3A_463 = tpu.memref_slice %arg3[%dma_wait3A_460, %mul3A_2] : memref<26x16384xi32, #tpu.memory_space<hbm>> -> memref<1x512xi32, #tpu.memory_space<hbm>>
    %dma_wait3A_464 = tpu.memref_squeeze %dma_wait3A_463 : memref<1x512xi32, #tpu.memory_space<hbm>> -> memref<512xi32, #tpu.memory_space<hbm>>
    %dma_wait3A_465 = arith.constant 12800 : i32
    %dma_wait3A_466 = tpu.memref_slice %arg6[%dma_wait3A_465] : memref<13312xi32, #tpu.memory_space<vmem>> -> memref<512xi32, #tpu.memory_space<vmem>>
    %dma_wait3A_467 = tpu.memref_slice %arg3[%dma_wait3A_460, %mul3A_2] : memref<26x16384xi32, #tpu.memory_space<hbm>> -> memref<1x512xi32, #tpu.memory_space<hbm>>
    %dma_wait3A_468 = tpu.memref_squeeze %dma_wait3A_467 : memref<1x512xi32, #tpu.memory_space<hbm>> -> memref<512xi32, #tpu.memory_space<hbm>>
    tpu.wait_dma2 semaphore(%arg10 : memref<!tpu.dma_semaphore, #tpu.memory_space<semaphore_mem>>) src(%dma_wait3A_468 : memref<512xi32, #tpu.memory_space<hbm>>) dst(%dma_wait3A_466 : memref<512xi32, #tpu.memory_space<vmem>>)
    %dma_start3A_469 = arith.constant 0 : i32
    %dma_start3A_470 = tpu.memref_slice %arg2[%dma_start3A_469] : memref<1000448xf32, #tpu.memory_space<hbm>> -> memref<1000448xf32, #tpu.memory_space<hbm>>
    tpu.enqueue_indirect_dma source(%dma_start3A_470 : memref<1000448xf32, #tpu.memory_space<hbm>>) target(%arg7 : memref<13312xf32, #tpu.memory_space<vmem>>) offsets(%arg6 : memref<13312xi32, #tpu.memory_space<vmem>>) semaphore(%arg10 : memref<!tpu.dma_semaphore, #tpu.memory_space<semaphore_mem>>)
    %dma_wait3A_471 = arith.constant 0 : i32
    %dma_wait3A_472 = tpu.memref_slice %arg2[%dma_wait3A_471] : memref<1000448xf32, #tpu.memory_space<hbm>> -> memref<1000448xf32, #tpu.memory_space<hbm>>
    tpu.wait_indirect_dma semaphore(%arg10 : memref<!tpu.dma_semaphore, #tpu.memory_space<semaphore_mem>>) src(%dma_wait3A_472 : memref<1000448xf32, #tpu.memory_space<hbm>>) dst(%arg7 : memref<13312xf32, #tpu.memory_space<vmem>>)
    %get3A = arith.constant 0 : index
    %get3A_473 = tpu.vector_load %arg9[%get3A] {strides = array<i32>} : memref<16xf32, #tpu.memory_space<vmem>>, vector<16xf32>,
    %get3A_474 = vector.shape_cast %get3A_473 : vector<16xf32> to vector<16xf32>
    %scan3A = arith.constant 0 : i32
    %scan3A_475 = arith.constant 0 : i32
    %scan3A_476 = arith.constant 32 : i32
    %scan3A_477 = arith.addi %scan3A_475, %scan3A_476 : i32
    %scan3A_478 = arith.constant 1 : i32
    %scan3A_479 = scf.for %scan3A_481 = %scan3A_475 to %scan3A_477 step %scan3A_478 iter_args(%scan3A_482 = %scan3A) -> (i32)  : i32 {
      %mul3A_483 = arith.constant 16 : i32
      %mul3A_484 = arith.muli %scan3A_481, %mul3A_483 : i32
      %get3A_485 = arith.index_cast %mul3A_484 : i32 to index
      %get3A_486 = tpu.vector_load %arg7[%get3A_485] {strides = array<i32>} : memref<13312xf32, #tpu.memory_space<vmem>>, vector<16xf32>,
      %get3A_487 = vector.shape_cast %get3A_486 : vector<16xf32> to vector<16xf32>
      %add3A_488 = arith.addf %get3A_474, %get3A_487 : vector<16xf32>
      %add3A_489 = arith.constant 512 : i32
      %add3A_490 = arith.addi %add3A_489, %mul3A_484 : i32
      %get3A_491 = arith.index_cast %add3A_490 : i32 to index
      %get3A_492 = tpu.vector_load %arg7[%get3A_491] {strides = array<i32>} : memref<13312xf32, #tpu.memory_space<vmem>>, vector<16xf32>,
      %get3A_493 = vector.shape_cast %get3A_492 : vector<16xf32> to vector<16xf32>
      %add3A_494 = arith.addf %add3A_488, %get3A_493 : vector<16xf32>
      %add3A_495 = arith.constant 1024 : i32
      %add3A_496 = arith.addi %add3A_495, %mul3A_484 : i32
      %get3A_497 = arith.index_cast %add3A_496 : i32 to index
      %get3A_498 = tpu.vector_load %arg7[%get3A_497] {strides = array<i32>} : memref<13312xf32, #tpu.memory_space<vmem>>, vector<16xf32>,
      %get3A_499 = vector.shape_cast %get3A_498 : vector<16xf32> to vector<16xf32>
      %add3A_500 = arith.addf %add3A_494, %get3A_499 : vector<16xf32>
      %add3A_501 = arith.constant 1536 : i32
      %add3A_502 = arith.addi %add3A_501, %mul3A_484 : i32
      %get3A_503 = arith.index_cast %add3A_502 : i32 to index
      %get3A_504 = tpu.vector_load %arg7[%get3A_503] {strides = array<i32>} : memref<13312xf32, #tpu.memory_space<vmem>>, vector<16xf32>,
      %get3A_505 = vector.shape_cast %get3A_504 : vector<16xf32> to vector<16xf32>
      %add3A_506 = arith.addf %add3A_500, %get3A_505 : vector<16xf32>
      %add3A_507 = arith.constant 2048 : i32
      %add3A_508 = arith.addi %add3A_507, %mul3A_484 : i32
      %get3A_509 = arith.index_cast %add3A_508 : i32 to index
      %get3A_510 = tpu.vector_load %arg7[%get3A_509] {strides = array<i32>} : memref<13312xf32, #tpu.memory_space<vmem>>, vector<16xf32>,
      %get3A_511 = vector.shape_cast %get3A_510 : vector<16xf32> to vector<16xf32>
      %add3A_512 = arith.addf %add3A_506, %get3A_511 : vector<16xf32>
      %add3A_513 = arith.constant 2560 : i32
      %add3A_514 = arith.addi %add3A_513, %mul3A_484 : i32
      %get3A_515 = arith.index_cast %add3A_514 : i32 to index
      %get3A_516 = tpu.vector_load %arg7[%get3A_515] {strides = array<i32>} : memref<13312xf32, #tpu.memory_space<vmem>>, vector<16xf32>,
      %get3A_517 = vector.shape_cast %get3A_516 : vector<16xf32> to vector<16xf32>
      %add3A_518 = arith.addf %add3A_512, %get3A_517 : vector<16xf32>
      %add3A_519 = arith.constant 3072 : i32
      %add3A_520 = arith.addi %add3A_519, %mul3A_484 : i32
      %get3A_521 = arith.index_cast %add3A_520 : i32 to index
      %get3A_522 = tpu.vector_load %arg7[%get3A_521] {strides = array<i32>} : memref<13312xf32, #tpu.memory_space<vmem>>, vector<16xf32>,
      %get3A_523 = vector.shape_cast %get3A_522 : vector<16xf32> to vector<16xf32>
      %add3A_524 = arith.addf %add3A_518, %get3A_523 : vector<16xf32>
      %add3A_525 = arith.constant 3584 : i32
      %add3A_526 = arith.addi %add3A_525, %mul3A_484 : i32
      %get3A_527 = arith.index_cast %add3A_526 : i32 to index
      %get3A_528 = tpu.vector_load %arg7[%get3A_527] {strides = array<i32>} : memref<13312xf32, #tpu.memory_space<vmem>>, vector<16xf32>,
      %get3A_529 = vector.shape_cast %get3A_528 : vector<16xf32> to vector<16xf32>
      %add3A_530 = arith.addf %add3A_524, %get3A_529 : vector<16xf32>
      %add3A_531 = arith.constant 4096 : i32
      %add3A_532 = arith.addi %add3A_531, %mul3A_484 : i32
      %get3A_533 = arith.index_cast %add3A_532 : i32 to index
      %get3A_534 = tpu.vector_load %arg7[%get3A_533] {strides = array<i32>} : memref<13312xf32, #tpu.memory_space<vmem>>, vector<16xf32>,
      %get3A_535 = vector.shape_cast %get3A_534 : vector<16xf32> to vector<16xf32>
      %add3A_536 = arith.addf %add3A_530, %get3A_535 : vector<16xf32>
      %add3A_537 = arith.constant 4608 : i32
      %add3A_538 = arith.addi %add3A_537, %mul3A_484 : i32
      %get3A_539 = arith.index_cast %add3A_538 : i32 to index
      %get3A_540 = tpu.vector_load %arg7[%get3A_539] {strides = array<i32>} : memref<13312xf32, #tpu.memory_space<vmem>>, vector<16xf32>,
      %get3A_541 = vector.shape_cast %get3A_540 : vector<16xf32> to vector<16xf32>
      %add3A_542 = arith.addf %add3A_536, %get3A_541 : vector<16xf32>
      %add3A_543 = arith.constant 5120 : i32
      %add3A_544 = arith.addi %add3A_543, %mul3A_484 : i32
      %get3A_545 = arith.index_cast %add3A_544 : i32 to index
      %get3A_546 = tpu.vector_load %arg7[%get3A_545] {strides = array<i32>} : memref<13312xf32, #tpu.memory_space<vmem>>, vector<16xf32>,
      %get3A_547 = vector.shape_cast %get3A_546 : vector<16xf32> to vector<16xf32>
      %add3A_548 = arith.addf %add3A_542, %get3A_547 : vector<16xf32>
      %add3A_549 = arith.constant 5632 : i32
      %add3A_550 = arith.addi %add3A_549, %mul3A_484 : i32
      %get3A_551 = arith.index_cast %add3A_550 : i32 to index
      %get3A_552 = tpu.vector_load %arg7[%get3A_551] {strides = array<i32>} : memref<13312xf32, #tpu.memory_space<vmem>>, vector<16xf32>,
      %get3A_553 = vector.shape_cast %get3A_552 : vector<16xf32> to vector<16xf32>
      %add3A_554 = arith.addf %add3A_548, %get3A_553 : vector<16xf32>
      %add3A_555 = arith.constant 6144 : i32
      %add3A_556 = arith.addi %add3A_555, %mul3A_484 : i32
      %get3A_557 = arith.index_cast %add3A_556 : i32 to index
      %get3A_558 = tpu.vector_load %arg7[%get3A_557] {strides = array<i32>} : memref<13312xf32, #tpu.memory_space<vmem>>, vector<16xf32>,
      %get3A_559 = vector.shape_cast %get3A_558 : vector<16xf32> to vector<16xf32>
      %add3A_560 = arith.addf %add3A_554, %get3A_559 : vector<16xf32>
      %add3A_561 = arith.constant 6656 : i32
      %add3A_562 = arith.addi %add3A_561, %mul3A_484 : i32
      %get3A_563 = arith.index_cast %add3A_562 : i32 to index
      %get3A_564 = tpu.vector_load %arg7[%get3A_563] {strides = array<i32>} : memref<13312xf32, #tpu.memory_space<vmem>>, vector<16xf32>,
      %get3A_565 = vector.shape_cast %get3A_564 : vector<16xf32> to vector<16xf32>
      %add3A_566 = arith.addf %add3A_560, %get3A_565 : vector<16xf32>
      %add3A_567 = arith.constant 7168 : i32
      %add3A_568 = arith.addi %add3A_567, %mul3A_484 : i32
      %get3A_569 = arith.index_cast %add3A_568 : i32 to index
      %get3A_570 = tpu.vector_load %arg7[%get3A_569] {strides = array<i32>} : memref<13312xf32, #tpu.memory_space<vmem>>, vector<16xf32>,
      %get3A_571 = vector.shape_cast %get3A_570 : vector<16xf32> to vector<16xf32>
      %add3A_572 = arith.addf %add3A_566, %get3A_571 : vector<16xf32>
      %add3A_573 = arith.constant 7680 : i32
      %add3A_574 = arith.addi %add3A_573, %mul3A_484 : i32
      %get3A_575 = arith.index_cast %add3A_574 : i32 to index
      %get3A_576 = tpu.vector_load %arg7[%get3A_575] {strides = array<i32>} : memref<13312xf32, #tpu.memory_space<vmem>>, vector<16xf32>,
      %get3A_577 = vector.shape_cast %get3A_576 : vector<16xf32> to vector<16xf32>
      %add3A_578 = arith.addf %add3A_572, %get3A_577 : vector<16xf32>
      %add3A_579 = arith.constant 8192 : i32
      %add3A_580 = arith.addi %add3A_579, %mul3A_484 : i32
      %get3A_581 = arith.index_cast %add3A_580 : i32 to index
      %get3A_582 = tpu.vector_load %arg7[%get3A_581] {strides = array<i32>} : memref<13312xf32, #tpu.memory_space<vmem>>, vector<16xf32>,
      %get3A_583 = vector.shape_cast %get3A_582 : vector<16xf32> to vector<16xf32>
      %add3A_584 = arith.addf %add3A_578, %get3A_583 : vector<16xf32>
      %add3A_585 = arith.constant 8704 : i32
      %add3A_586 = arith.addi %add3A_585, %mul3A_484 : i32
      %get3A_587 = arith.index_cast %add3A_586 : i32 to index
      %get3A_588 = tpu.vector_load %arg7[%get3A_587] {strides = array<i32>} : memref<13312xf32, #tpu.memory_space<vmem>>, vector<16xf32>,
      %get3A_589 = vector.shape_cast %get3A_588 : vector<16xf32> to vector<16xf32>
      %add3A_590 = arith.addf %add3A_584, %get3A_589 : vector<16xf32>
      %add3A_591 = arith.constant 9216 : i32
      %add3A_592 = arith.addi %add3A_591, %mul3A_484 : i32
      %get3A_593 = arith.index_cast %add3A_592 : i32 to index
      %get3A_594 = tpu.vector_load %arg7[%get3A_593] {strides = array<i32>} : memref<13312xf32, #tpu.memory_space<vmem>>, vector<16xf32>,
      %get3A_595 = vector.shape_cast %get3A_594 : vector<16xf32> to vector<16xf32>
      %add3A_596 = arith.addf %add3A_590, %get3A_595 : vector<16xf32>
      %add3A_597 = arith.constant 9728 : i32
      %add3A_598 = arith.addi %add3A_597, %mul3A_484 : i32
      %get3A_599 = arith.index_cast %add3A_598 : i32 to index
      %get3A_600 = tpu.vector_load %arg7[%get3A_599] {strides = array<i32>} : memref<13312xf32, #tpu.memory_space<vmem>>, vector<16xf32>,
      %get3A_601 = vector.shape_cast %get3A_600 : vector<16xf32> to vector<16xf32>
      %add3A_602 = arith.addf %add3A_596, %get3A_601 : vector<16xf32>
      %add3A_603 = arith.constant 10240 : i32
      %add3A_604 = arith.addi %add3A_603, %mul3A_484 : i32
      %get3A_605 = arith.index_cast %add3A_604 : i32 to index
      %get3A_606 = tpu.vector_load %arg7[%get3A_605] {strides = array<i32>} : memref<13312xf32, #tpu.memory_space<vmem>>, vector<16xf32>,
      %get3A_607 = vector.shape_cast %get3A_606 : vector<16xf32> to vector<16xf32>
      %add3A_608 = arith.addf %add3A_602, %get3A_607 : vector<16xf32>
      %add3A_609 = arith.constant 10752 : i32
      %add3A_610 = arith.addi %add3A_609, %mul3A_484 : i32
      %get3A_611 = arith.index_cast %add3A_610 : i32 to index
      %get3A_612 = tpu.vector_load %arg7[%get3A_611] {strides = array<i32>} : memref<13312xf32, #tpu.memory_space<vmem>>, vector<16xf32>,
      %get3A_613 = vector.shape_cast %get3A_612 : vector<16xf32> to vector<16xf32>
      %add3A_614 = arith.addf %add3A_608, %get3A_613 : vector<16xf32>
      %add3A_615 = arith.constant 11264 : i32
      %add3A_616 = arith.addi %add3A_615, %mul3A_484 : i32
      %get3A_617 = arith.index_cast %add3A_616 : i32 to index
      %get3A_618 = tpu.vector_load %arg7[%get3A_617] {strides = array<i32>} : memref<13312xf32, #tpu.memory_space<vmem>>, vector<16xf32>,
      %get3A_619 = vector.shape_cast %get3A_618 : vector<16xf32> to vector<16xf32>
      %add3A_620 = arith.addf %add3A_614, %get3A_619 : vector<16xf32>
      %add3A_621 = arith.constant 11776 : i32
      %add3A_622 = arith.addi %add3A_621, %mul3A_484 : i32
      %get3A_623 = arith.index_cast %add3A_622 : i32 to index
      %get3A_624 = tpu.vector_load %arg7[%get3A_623] {strides = array<i32>} : memref<13312xf32, #tpu.memory_space<vmem>>, vector<16xf32>,
      %get3A_625 = vector.shape_cast %get3A_624 : vector<16xf32> to vector<16xf32>
      %add3A_626 = arith.addf %add3A_620, %get3A_625 : vector<16xf32>
      %add3A_627 = arith.constant 12288 : i32
      %add3A_628 = arith.addi %add3A_627, %mul3A_484 : i32
      %get3A_629 = arith.index_cast %add3A_628 : i32 to index
      %get3A_630 = tpu.vector_load %arg7[%get3A_629] {strides = array<i32>} : memref<13312xf32, #tpu.memory_space<vmem>>, vector<16xf32>,
      %get3A_631 = vector.shape_cast %get3A_630 : vector<16xf32> to vector<16xf32>
      %add3A_632 = arith.addf %add3A_626, %get3A_631 : vector<16xf32>
      %add3A_633 = arith.constant 12800 : i32
      %add3A_634 = arith.addi %add3A_633, %mul3A_484 : i32
      %get3A_635 = arith.index_cast %add3A_634 : i32 to index
      %get3A_636 = tpu.vector_load %arg7[%get3A_635] {strides = array<i32>} : memref<13312xf32, #tpu.memory_space<vmem>>, vector<16xf32>,
      %get3A_637 = vector.shape_cast %get3A_636 : vector<16xf32> to vector<16xf32>
      %add3A_638 = arith.addf %add3A_632, %get3A_637 : vector<16xf32>
      %swap3A = arith.index_cast %mul3A_484 : i32 to index
      %swap3A_639 = tpu.vector_load %arg8[%swap3A] {strides = array<i32>} : memref<512xf32, #tpu.memory_space<vmem>>, vector<16xf32>,
      %swap3A_640 = vector.shape_cast %swap3A_639 : vector<16xf32> to vector<16xf32>
      %swap3A_641 = vector.shape_cast %add3A_638 : vector<16xf32> to vector<16xf32>
      tpu.vector_store %arg8[%swap3A], %swap3A_641 {strides = array<i32>} : memref<512xf32, #tpu.memory_space<vmem>>, vector<16xf32>,
      %scan3A_642 = arith.constant 0 : i32
      scf.yield %scan3A_642 : i32
    }
    %scan3A_480 = arith.constant 32 : i32
    "tpu.region"() ({
      %run_scoped3A = tpu.sem_alloc : memref<!tpu.dma_semaphore, #tpu.memory_space<semaphore_mem>>
      %dma_start3A_481 = tpu.memref_slice %arg5[%mul3A_2] : memref<16384xf32, #tpu.memory_space<hbm>> -> memref<512xf32, #tpu.memory_space<hbm>>
      %dma_start3A_482 = tpu.memref_slice %arg5[%mul3A_2] : memref<16384xf32, #tpu.memory_space<hbm>> -> memref<512xf32, #tpu.memory_space<hbm>>
      tpu.enqueue_dma source(%arg8 : memref<512xf32, #tpu.memory_space<vmem>>) target(%dma_start3A_482 : memref<512xf32, #tpu.memory_space<hbm>>) target_semaphore(%run_scoped3A : memref<!tpu.dma_semaphore, #tpu.memory_space<semaphore_mem>>)
      %dma_wait3A_483 = tpu.memref_slice %arg5[%mul3A_2] : memref<16384xf32, #tpu.memory_space<hbm>> -> memref<512xf32, #tpu.memory_space<hbm>>
      %dma_wait3A_484 = tpu.memref_slice %arg5[%mul3A_2] : memref<16384xf32, #tpu.memory_space<hbm>> -> memref<512xf32, #tpu.memory_space<hbm>>
      tpu.wait_dma2 semaphore(%run_scoped3A : memref<!tpu.dma_semaphore, #tpu.memory_space<semaphore_mem>>) src(%arg8 : memref<512xf32, #tpu.memory_space<vmem>>) dst(%dma_wait3A_484 : memref<512xf32, #tpu.memory_space<hbm>>)
      tpu.yield
    }) : () -> ()
    return
  }
}

</mosaic_0001>

<sc_bundles>
// kernel: kernel.3.cloned.1.call-start
scs
__scs_entry_jumppad:
0x0: {  	(pc) =	sbr.rel $0x88, $3  }
0x1: {  	(tag) =	ssettag $0x0;
	lr =	simm.s32 $0x1  }
0x2: {  	[smem:$0x3F9E] =	sst lr;
	_ =	strace $0xD0000000  }
0x3: {  	_ = 	snop  }
0x4: {  	_ = 	snop  }
0x5: {  	_ = 	snop  }
0x6: {  	_ = 	snop  }
0x7: {  	_ = 	snop  }
__scs_overlays_trampoline_lowered:
0x8: {  	[smem:$0x3FAD] =	sst s0  }
0x9: {  	[smem:$0x3FAE] =	sst s1  }
0xa: {  	[smem:$0x3FAF] =	sst s2  }
0xb: {  	[smem:$0x3FB0] =	sst s3  }
0xc: {  	[smem:$0x3FB1] =	sst s4  }
0xd: {  	[smem:$0x3FB2] =	sst s5  }
0xe: {  	[smem:$0x3FB3] =	sst s6  }
0xf: {  	[smem:$0x3FB4] =	sst s7  }
0x10: {  	[smem:$0x3FB5] =	sst s8  }
0x11: {  	[smem:$0x3FB6] =	sst s9;
	s0 =	simm.s32 @!p0 $0x0  }
0x12: {  	s1 =	sld [smem:$0x3F9C];
	s0 =	simm.s32 @p0 $0x1  }
0x13: {  	[smem:$0x3FB7] =	sst s0;
	s0 =	simm.s32 @!p1 $0x0  }
0x14: {  	s2 =	sld [smem:$0x3F9B];
	s0 =	simm.s32 @p1 $0x1  }
0x15: {  	[smem:$0x3FB8] =	sst s0;
	s0 =	simm.s32 @!p2 $0x0  }
0x16: {  	s3 =	sld [smem:$0x3FDB];
	s0 =	simm.s32 @p2 $0x1  }
0x17: {  	s4 =	simm.s32 $0x1BF5;
	[smem:$0x3FBA] =	sst s0  }
0x18: {  	s0 =	sld [smem:$0x3F9D];
	_ =	swait.ge [sflag:s4], $0x0  }
0x19: {  	s7 =	sld [smem:$0x3F9E]  }
0x1a: {  	s8 =	sadd.s32 $0xFFFFE003, lr  }
0x1b: {  	s9 =	sadd.s32 $0xFFFFFEF7, lr;
	s5 =	simm.s32 $0xFFFFFFFF;
	p2 =	slt.u32 s8, $0xFFFFF086  }
0x1c: {  	p1 =	slt.u32 s9, $0xF7A;
	s5 =	simm.s32 @!p2 $0x0  }
0x1d: {  	s5 =	simm.s32 @p1 $0x1;
	p0 =	seq.s32 s7, s2  }
0x1e: {  	s7 =	smul.u32 @!p0 $0xF7A, s2;
	p2 =	seq.s32 @!p0 s5, $0x0  }
0x1f: {  	s9 =	smul.u32 $0xF7A, s1;
	s8 =	simm.s32 @!p0 $0x1BF5;
	p2 =	por !p2, p0  }
0x20: {  	[sflag:s8] =	ssyncset.s32 @!p0 $0xFFFFF086;
	s6 =	sadd.s32 @!p0 s3, s7;
	s7 =	simm.s32 @!p0 $0x108  }
0x21: {  	s3 =	sadd.s32 s3, s9;
	s6 =	sadd.s32 @!p0 $0x88, s6;
	s7 =	simm.s32 @p2 $0x1082  }
0x22: {  	[simem:s7], [sflag:s8] =	dma.local @!p0 [hbm:s6], $0xF7A  }
0x23: {  	s9 =	sor.u32 $0xD0000000, s2;
	s6 =	simm.s32 $0x108;
	_ =	swait.ge @!p0 [sflag:s8], $0x0  }
0x24: {  	s3 =	sadd.s32 $0x88, s3;
	s6 =	simm.s32 @!p1 $0x1082;
	[sflag:s4] =	ssyncset.s32 $0xFFFFF086  }
0x25: {  	[simem:s6], [sflag:s4] =	dma.local [hbm:s3], $0xF7A  }
0x26: {  	[smem:$0x3F9E] =	sst s1;
	(tag) =	ssettag s2;
	_ =	strace s9  }
0x27: {  	s1 =	sld [smem:$0x3FAE]  }
0x28: {  	s2 =	sld [smem:$0x3FAF]  }
0x29: {  	s4 =	sld [smem:$0x3FB1]  }
0x2a: {  	p0 =	seq.s32 s5, $0x0;
	s5 =	sld [smem:$0x3FB2]  }
0x2b: {  	s6 =	sld [smem:$0x3FB3]  }
0x2c: {  	s7 =	sld [smem:$0x3FB4]  }
0x2d: {  	s3 =	simm.s32 $0x108;
	s8 =	sld [smem:$0x3FB5]  }
0x2e: {  	s3 =	simm.s32 @!p0 $0x1082;
	s9 =	sld [smem:$0x3FB6]  }
0x2f: {  	lr =	sadd.s32 s0, s3;
	s0 =	sld [smem:$0x3FAD]  }
0x30: {  	s3 =	sld [smem:$0x3FB0]  }
0x31: {  	[smem:$0x3FB9] =	sst s10  }
0x32: {  	s10 =	sld [smem:$0x3FB7];
	_ =	sdelay $0x3  }
0x33: {  	p0 =	seq.s32 s10, $0x1;
	s10 =	sld [smem:$0x3FB9];
	_ =	sdelay $0x3  }
0x34: {  	[smem:$0x3FB9] =	sst s10  }
0x35: {  	s10 =	sld [smem:$0x3FB8];
	_ =	sdelay $0x3  }
0x36: {  	p1 =	seq.s32 s10, $0x1;
	s10 =	sld [smem:$0x3FB9];
	_ =	sdelay $0x3  }
0x37: {  	[smem:$0x3FB9] =	sst s10  }
0x38: {  	s10 =	sld [smem:$0x3FBA]  }
0x39: {  	_ = 	snop;
	(pc) =	sbr.ind lr, $3  }
0x3a: {  	_ = 	snop  }
0x3b: {  	_ = 	snop  }
0x3c: {  	p2 =	seq.s32 s10, $0x1;
	s10 =	sld [smem:$0x3FB9]  }
0x3d: {  	_ =	shalt  }
0x3e: {  	_ =	shalt  }
0x3f: {  	_ =	shalt  }
0x40: {  	_ =	shalt  }
0x41: {  	_ =	shalt  }
0x42: {  	_ =	shalt  }
0x43: {  	_ =	shalt  }
0x44: {  	_ =	shalt  }
0x45: {  	_ =	shalt  }
0x46: {  	_ =	shalt  }
0x47: {  	_ =	shalt  }
0x48: {  	_ =	shalt  }
0x49: {  	_ =	shalt  }
0x4a: {  	_ =	shalt  }
0x4b: {  	_ =	shalt  }
0x4c: {  	_ =	shalt  }
0x4d: {  	_ =	shalt  }
0x4e: {  	_ =	shalt  }
0x4f: {  	_ =	shalt  }
0x50: {  	_ =	shalt  }
0x51: {  	_ =	shalt  }
0x52: {  	_ =	shalt  }
0x53: {  	_ =	shalt  }
0x54: {  	_ =	shalt  }
0x55: {  	_ =	shalt  }
0x56: {  	_ =	shalt  }
0x57: {  	_ =	shalt  }
0x58: {  	_ =	shalt  }
0x59: {  	_ =	shalt  }
0x5a: {  	_ =	shalt  }
0x5b: {  	_ =	shalt  }
0x5c: {  	_ =	shalt  }
0x5d: {  	_ =	shalt  }
0x5e: {  	_ =	shalt  }
0x5f: {  	_ =	shalt  }
0x60: {  	_ =	shalt  }
0x61: {  	_ =	shalt  }
0x62: {  	_ =	shalt  }
0x63: {  	_ =	shalt  }
0x64: {  	_ =	shalt  }
0x65: {  	_ =	shalt  }
0x66: {  	_ =	shalt  }
0x67: {  	_ =	shalt  }
0x68: {  	_ =	shalt  }
0x69: {  	_ =	shalt  }
0x6a: {  	_ =	shalt  }
0x6b: {  	_ =	shalt  }
0x6c: {  	_ =	shalt  }
0x6d: {  	_ =	shalt  }
0x6e: {  	_ =	shalt  }
0x6f: {  	_ =	shalt  }
0x70: {  	_ =	shalt  }
0x71: {  	_ =	shalt  }
0x72: {  	_ =	shalt  }
0x73: {  	_ =	shalt  }
0x74: {  	_ =	shalt  }
0x75: {  	_ =	shalt  }
0x76: {  	_ =	shalt  }
0x77: {  	_ =	shalt  }
0x78: {  	_ =	shalt  }
0x79: {  	_ =	shalt  }
0x7a: {  	_ =	shalt  }
0x7b: {  	_ =	shalt  }
0x7c: {  	_ =	shalt  }
0x7d: {  	_ =	shalt  }
0x7e: {  	_ =	shalt  }
0x7f: {  	_ =	shalt  }
0x80: {  	_ =	shalt  }
0x81: {  	_ =	shalt  }
0x82: {  	_ =	shalt  }
0x83: {  	_ =	shalt  }
0x84: {  	_ =	shalt  }
0x85: {  	_ =	shalt  }
0x86: {  	_ =	shalt  }
0x87: {  	_ =	shalt  }
.Lfunc_end0:
.L_simem_size_0:
called_computation_lowered:
.L_overlay_start_0:
0x88: {  	s2 =	sld [smem:$0x3FD9]  }
0x89: {  	s3 =	sld [smem:$0x3FFE];
	_ =	sdelay $0x1  }
0x8a: {  	s1 =	srdreg.scid  }
0x8b: {  	s0 =	sand.u32 $0x1, s1  }
0x8c: {  	s17 =	sshll.u32 s0, $0xA;
	s2 =	sadd.s32 s3, s2  }
0x8d: {  	s2 =	sadd.s32 s2, s17  }
0x8e: {  	[smem:$0x3FC5] =	sst s2  }
0x8f: {  	_ = 	snop  }
0x90: {  	s2 =	sld [smem:$0x3FC9]  }
0x91: {  	s18 =	sld [smem:$0x3FD0];
	(tm) =	ssettm $0x1  }
0x92: {  	s4 =	sld [smem:$0x3FFB];
	_ =	sdelay $0x3  }
0x93: {  	_ =	strace s4  }
0x94: {  	s4 =	sld [smem:$0x3FFC];
	_ =	sdelay $0x3  }
0x95: {  	_ =	strace s4  }
0x96: {  	s4 =	sld [smem:$0x3FFD];
	_ =	sdelay $0x3  }
0x97: {  	_ =	strace s4  }
0x98: {  	_ =	strace $0x8FFFFFFF  }
0x99: {  	s19 =	sld [smem:$0x3FDB];
	_ =	sdelay $0x1  }
0x9a: {  	s5 =	simm.s32 $_scs_section_size  }
0x9b: {  	s6 =	simm.s32 $_size__tile_overlayer_lowered;
	s7 =	simm.s32 $_tile_overlayer_lowered  }
0x9c: {  	s22 =	simm.s32 $0x1BFF;
	s21 =	sshll.u32 s7, $0x1;
	s4 =	sadd.s32 s5, s19  }
0x9d: {  	s8 =	simm.s32 $0x0;
	s20 =	sshll.u32 s6, $0x1;
	s6 =	sadd.s32 s21, s4  }
0x9e: {  	[timem:s8], [sflag:s22] =	dma.local [hbm:s6], s20  }
0x9f: {  	_ =	swait.ge [sflag:s22], s20  }
0xa0: {  	s5 =	ssub.s32 $0x0, s20;
	[sflag:s22] =	ssyncset.done $0x0  }
0xa1: {  	[sflag:s22] =	ssyncadd.s32 s5;
	_ =	sdelay $0x1  }
0xa2: {  	s23 =	simm.s32 $0x1B8B  }
0xa3: {  	_ =	swait.ge [sflag:s23], $0x1  }
0xa4: {  	[sflag:s23] =	ssyncset.done $0x0  }
0xa5: {  	s25 =	simm.s32 $0x1B8E;
	s24 =	sld [smem:$0x3FFE];
	[sflag:s23] =	ssyncadd.s32 $0xFFFFFFFF  }
0xa6: {  	s26 =	simm.s32 $execute0_lowered;
	[smem:$0x3FD2] =	sst s25  }
0xa7: {  	s6 =	sshll.u32 s26, $0x1;
	_ =	strace $0x80000046;
	[dreg:$0x1] =	wrdreg $0xFFFFFFFF  }
0xa8: {  	s28 =	simm.s32 $_size_execute0_lowered;
	s4 =	sadd.s32 s4, s6;
	[dreg:$0x0] =	wrdreg $0x0  }
0xa9: {  	s6 =	sshll.u32 s28, $0x1;
	[dreg:$0x2] =	wrdreg s4  }
0xaa: {  	[dreg:$0x3] =	wrdreg s6  }
0xab: {  	[dreg:$0x4] =	wrdreg $0xC0  }
0xac: {  	_ =	task [dreg:s8], $0x5FFFF  }
0xad: {  	[dreg:$0x1] =	wrdreg $0xFFFFFFFF  }
0xae: {  	[dreg:$0x0] =	wrdreg $0x60  }
0xaf: {  	[dreg:$0x2] =	wrdreg s24  }
0xb0: {  	[dreg:$0x3] =	wrdreg s2  }
0xb1: {  	[dreg:$0x4] =	wrdreg s18  }
0xb2: {  	[dreg:$0x5] =	wrdreg $0x9  }
0xb3: {  	_ =	task.clear_ibuf [dreg:s8], $0x6FFFF;
	_ =	strace $0x90000046  }
0xb4: {  	s29 =	simm.s32 $0x9;
	_ =	strace $0x80000048  }
0xb5: {  	_ =	swait.ge [sflag:s29], $0x1  }
0xb6: {  	[sflag:s29] =	ssyncadd.s32 $0xFFFFFFFF  }
0xb7: {  	_ =	strace $0x90000048  }
0xb8: {  	_ =	sfence  }
0xb9: {  	s30 =	sld [smem:$0x0];
	_ =	sdelay $0x2  }
0xba: {  	s31 =	sshll.u32 s1, $0xD;
	s1 =	sshrl.u32 s1, $0x2  }
0xbb: {  	s3 =	sand.u32 $0x4000, s31;
	s1 =	sadd.s32 s1, s30  }
0xbc: {  	s0 =	sor.u32 s3, s0;
	s1 =	sshll.u32 s1, $0x11  }
0xbd: {  	s0 =	sor.u32 s1, s0  }
0xbe: {  	s0 =	sadd.s32 $0x8F2B, s0  }
0xbf: {  	[sflag:s0] =	ssyncadd.remote.s32 $0x1  }
0xc0: {  	_ =	sfence.sel $0xFFFF  }
0xc1: {  	[dreg:$0x0] =	wrdreg $0xFFFFFFFF;
	(pc) =	sbr.abs _section_cstart, $3  }
0xc2: {  	[dreg:$0x1] =	wrdreg $0xFFFFFFFF  }
0xc3: {  	_ =	task.clear_ibuf [dreg:s8], $0x2FFFF;
	_ =	strace $0x9FFFFFFF  }
0xc4: {  	(tm) =	ssettm $0x7FFFFFFF  }
0xc5: {  	_ =	shalt  }
tec
execute0_lowered:
.L_overlay_start_1:
0x0: {  	(tag) =	ssettag $0x1  }
0x1: {  	s0 =	rddreg [dreg:$0x0]  }
0x2: {  	s1 =	rddreg [dreg:$0x1]  }
0x3: {  	s3 =	rddreg [dreg:$0x2]  }
0x4: {  	s2 =	simm.s32 $0x0;
	s4 =	srdreg.scid;
	s5 =	stileid.u32  }
0x5: {  	s8 =	simm.s32 $0x6800;
	s9 =	simm.s32 $0x0;
	[smem:$0x7FF] =	sst s2  }
0x6: {  	s4 =	sand.u32 $0x1, s4;
	s5 =	sshll.u32 s5, $0xA;
	s7 =	sadd.s32 $0x400, s0  }
0x7: {  	s0 =	sadd.s32 $0x1EE00, s0;
	_ =	strace $0x80000047;
	s6 =	sshll.u32 s4, $0x9  }
0x8: {  	[dreg:$0x4] =	wrdreg s7;
	s4 =	ssub.s32 $0x2, s4;
	s6 =	sor.u32 s6, s5  }
0x9: {  	[dreg:$0x5] =	wrdreg s0;
	s17 =	sshrl.u32 s4, $0x1;
	s5 =	sadd.s32 s1, s6  }
0xa: {  	s7 =	simm.s32 $0x1;
	s0 =	ssub.s32 s4, s17;
	s1 =	sadd.s32 $0x10, s5  }
0xb: {  	s26 =	sshrl.u32 s6, $0x3;
	s18 =	sadd.s32 $0x20, s5;
	[dreg:$0x6] =	wrdreg s1  }
0xc: {  	s4 =	simm.s32 $0x400;
	s19 =	sadd.s32 $0x30, s5;
	[dreg:$0x7] =	wrdreg s18  }
0xd: {  	s6 =	simm.s32 $0x2;
	s20 =	sadd.s32 $0x40, s5;
	[dreg:$0x8] =	wrdreg s19  }
0xe: {  	s21 =	sadd.s32 $0x50, s5;
	s22 =	sadd.s32 $0x60, s5;
	[dreg:$0x9] =	wrdreg s20  }
0xf: {  	s23 =	sadd.s32 $0x70, s5;
	s24 =	sadd.s32 $0x4000, s5;
	[dreg:$0xa] =	wrdreg s21  }
0x10: {  	s25 =	sadd.s32 $0x4010, s5;
	s15 =	sadd.s32 $0x4020, s5;
	[dreg:$0xb] =	wrdreg s22  }
0x11: {  	s16 =	sadd.s32 $0x4030, s5;
	s17 =	sadd.s32 $0x4040, s5;
	[dreg:$0xc] =	wrdreg s23  }
0x12: {  	s28 =	sadd.s32 $0x8040, s5;
	s29 =	sadd.s32 $0x8050, s5;
	[dreg:$0xd] =	wrdreg s24  }
0x13: {  	s30 =	sadd.s32 $0x8060, s5;
	s31 =	sadd.s32 $0x8070, s5;
	[dreg:$0xe] =	wrdreg s25  }
0x14: {  	s18 =	sadd.s32 $0x4050, s5;
	s19 =	sadd.s32 $0x4060, s5;
	s20 =	sadd.s32 $0x4070, s5  }
0x15: {  	s21 =	sadd.s32 $0x8000, s5;
	s22 =	sadd.s32 $0x8010, s5;
	s23 =	sadd.s32 s3, s26  }
0x16: {  	s24 =	sadd.s32 $0x8020, s5;
	s25 =	smax.u32 s0, $0x1;
	s26 =	sadd.s32 $0x8030, s5  }
0x17: {  	s0 =	sadd.s32 $0xC000, s5;
	s1 =	sadd.s32 $0xC010, s5;
	s3 =	simm.s32 $0x80  }
.LBB2_1:
0x18: {  	[tilespmem:s2], [sflag:$0x1] =	stream.strided.gather [hbm4b:s5+s3], $0x200, s4, s3, $0x38;
	[tilespmem:$0x6A80] =	vst v63  }
0x19: {  	s10 =	rddreg [dreg:$0x6];
	s11 =	simm.s32 $0x200  }
0x1a: {  	[tilespmem:s11], [sflag:$0x1] =	stream.strided.gather [hbm4b:s10+s3], $0x200, s4, s3, $0x38;
	[tilespmem:$0x6A80] =	vst v63  }
0x1b: {  	s14 =	rddreg [dreg:$0x7]  }
0x1c: {  	[tilespmem:s4], [sflag:$0x1] =	stream.strided.gather [hbm4b:s14+s3], $0x200, s4, s3, $0x38;
	[tilespmem:$0x6A80] =	vst v63  }
0x1d: {  	s12 =	simm.s32 $0x600;
	s11 =	rddreg [dreg:$0x8]  }
0x1e: {  	[tilespmem:s12], [sflag:$0x1] =	stream.strided.gather [hbm4b:s11+s3], $0x200, s4, s3, $0x38;
	[tilespmem:$0x6A80] =	vst v63  }
0x1f: {  	s13 =	rddreg [dreg:$0x9];
	s14 =	simm.s32 $0x800  }
0x20: {  	[tilespmem:s14], [sflag:$0x1] =	stream.strided.gather [hbm4b:s13+s3], $0x200, s4, s3, $0x38;
	[tilespmem:$0x6A80] =	vst v63  }
0x21: {  	s11 =	rddreg [dreg:$0xa];
	s12 =	simm.s32 $0xA00  }
0x22: {  	[tilespmem:s12], [sflag:$0x1] =	stream.strided.gather [hbm4b:s11+s3], $0x200, s4, s3, $0x38;
	[tilespmem:$0x6A80] =	vst v63  }
0x23: {  	s13 =	rddreg [dreg:$0xb];
	s14 =	simm.s32 $0xC00  }
0x24: {  	[tilespmem:s14], [sflag:$0x1] =	stream.strided.gather [hbm4b:s13+s3], $0x200, s4, s3, $0x38;
	[tilespmem:$0x6A80] =	vst v63  }
0x25: {  	s11 =	rddreg [dreg:$0xc];
	s12 =	simm.s32 $0xE00  }
0x26: {  	[tilespmem:s12], [sflag:$0x1] =	stream.strided.gather [hbm4b:s11+s3], $0x200, s4, s3, $0x38;
	[tilespmem:$0x6A80] =	vst v63  }
0x27: {  	s13 =	rddreg [dreg:$0xd];
	s14 =	simm.s32 $0x1000  }
0x28: {  	[tilespmem:s14], [sflag:$0x1] =	stream.strided.gather [hbm4b:s13+s3], $0x200, s4, s3, $0x38;
	[tilespmem:$0x6A80] =	vst v63  }
0x29: {  	s11 =	rddreg [dreg:$0xe];
	s12 =	simm.s32 $0x1200  }
0x2a: {  	[tilespmem:s12], [sflag:$0x1] =	stream.strided.gather [hbm4b:s11+s3], $0x200, s4, s3, $0x38;
	[tilespmem:$0x6A80] =	vst v63  }
0x2b: {  	s13 =	simm.s32 $0x1400  }
0x2c: {  	[tilespmem:s13], [sflag:$0x1] =	stream.strided.gather [hbm4b:s15+s3], $0x200, s4, s3, $0x38;
	[tilespmem:$0x6A80] =	vst v63  }
0x2d: {  	s14 =	simm.s32 $0x1600  }
0x2e: {  	[tilespmem:s14], [sflag:$0x1] =	stream.strided.gather [hbm4b:s16+s3], $0x200, s4, s3, $0x38;
	[tilespmem:$0x6A80] =	vst v63  }
0x2f: {  	s11 =	simm.s32 $0x1800  }
0x30: {  	[tilespmem:s11], [sflag:$0x1] =	stream.strided.gather [hbm4b:s17+s3], $0x200, s4, s3, $0x38;
	[tilespmem:$0x6A80] =	vst v63  }
0x31: {  	s12 =	simm.s32 $0x1A00  }
0x32: {  	[tilespmem:s12], [sflag:$0x1] =	stream.strided.gather [hbm4b:s18+s3], $0x200, s4, s3, $0x38;
	[tilespmem:$0x6A80] =	vst v63  }
0x33: {  	s13 =	simm.s32 $0x1C00  }
0x34: {  	[tilespmem:s13], [sflag:$0x1] =	stream.strided.gather [hbm4b:s19+s3], $0x200, s4, s3, $0x38;
	[tilespmem:$0x6A80] =	vst v63  }
0x35: {  	s14 =	simm.s32 $0x1E00  }
0x36: {  	[tilespmem:s14], [sflag:$0x1] =	stream.strided.gather [hbm4b:s20+s3], $0x200, s4, s3, $0x38;
	[tilespmem:$0x6A80] =	vst v63  }
0x37: {  	s11 =	simm.s32 $0x2000  }
0x38: {  	[tilespmem:s11], [sflag:$0x1] =	stream.strided.gather [hbm4b:s21+s3], $0x200, s4, s3, $0x38;
	[tilespmem:$0x6A80] =	vst v63  }
0x39: {  	s12 =	simm.s32 $0x2200  }
0x3a: {  	[tilespmem:s12], [sflag:$0x1] =	stream.strided.gather [hbm4b:s22+s3], $0x200, s4, s3, $0x38;
	[tilespmem:$0x6A80] =	vst v63  }
0x3b: {  	s13 =	simm.s32 $0x2400  }
0x3c: {  	[tilespmem:s13], [sflag:$0x1] =	stream.strided.gather [hbm4b:s24+s3], $0x200, s4, s3, $0x38;
	[tilespmem:$0x6A80] =	vst v63  }
0x3d: {  	s14 =	simm.s32 $0x2600  }
0x3e: {  	[tilespmem:s14], [sflag:$0x1] =	stream.strided.gather [hbm4b:s26+s3], $0x200, s4, s3, $0x38;
	[tilespmem:$0x6A80] =	vst v63  }
0x3f: {  	s11 =	simm.s32 $0x2800  }
0x40: {  	[tilespmem:s11], [sflag:$0x1] =	stream.strided.gather [hbm4b:s28+s3], $0x200, s4, s3, $0x38;
	[tilespmem:$0x6A80] =	vst v63  }
0x41: {  	s12 =	simm.s32 $0x2A00  }
0x42: {  	[tilespmem:s12], [sflag:$0x1] =	stream.strided.gather [hbm4b:s29+s3], $0x200, s4, s3, $0x38;
	[tilespmem:$0x6A80] =	vst v63  }
0x43: {  	s13 =	simm.s32 $0x2C00  }
0x44: {  	[tilespmem:s13], [sflag:$0x1] =	stream.strided.gather [hbm4b:s30+s3], $0x200, s4, s3, $0x38;
	[tilespmem:$0x6A80] =	vst v63  }
0x45: {  	s14 =	simm.s32 $0x2E00  }
0x46: {  	[tilespmem:s14], [sflag:$0x1] =	stream.strided.gather [hbm4b:s31+s3], $0x200, s4, s3, $0x38;
	[tilespmem:$0x6A80] =	vst v63  }
0x47: {  	s11 =	simm.s32 $0x3000  }
0x48: {  	[tilespmem:s11], [sflag:$0x1] =	stream.strided.gather [hbm4b:s0+s3], $0x200, s4, s3, $0x38;
	[tilespmem:$0x6A80] =	vst v63  }
0x49: {  	s12 =	simm.s32 $0x3200  }
0x4a: {  	[tilespmem:s12], [sflag:$0x1] =	stream.strided.gather [hbm4b:s1+s3], $0x200, s4, s3, $0x38;
	[tilespmem:$0x6A80] =	vst v63  }
0x4b: {  	s13 =	rddreg [dreg:$0x5];
	s14 =	simm.s32 $0x6A00  }
0x4c: {  	[tilespmem:s14], [sflag:$0x2] =	stream.linear.gather [hbm4b:s13+s2], $0x80, $0x38;
	[tilespmem:$0x6A80] =	vst v63  }
0x4d: {  	_ =	swait.ge [sflag:s6], $0x80  }
0x4e: {  	[sflag:s6] =	ssyncset.done $0x0  }
0x4f: {  	[sflag:s6] =	ssyncadd.s32 $0xFFFFFF80  }
0x50: {  	_ =	swait.ge [sflag:s7], $0x200  }
0x51: {  	[sflag:s7] =	ssyncset.done $0x0  }
0x52: {  	[sflag:s7] =	ssyncadd.s32 $0xFFFFFE00  }
0x53: {  	_ =	swait.ge [sflag:s7], $0x200  }
0x54: {  	[sflag:s7] =	ssyncset.done $0x0  }
0x55: {  	[sflag:s7] =	ssyncadd.s32 $0xFFFFFE00  }
0x56: {  	_ =	swait.ge [sflag:s7], $0x200  }
0x57: {  	[sflag:s7] =	ssyncset.done $0x0  }
0x58: {  	[sflag:s7] =	ssyncadd.s32 $0xFFFFFE00  }
0x59: {  	_ =	swait.ge [sflag:s7], $0x200  }
0x5a: {  	[sflag:s7] =	ssyncset.done $0x0  }
0x5b: {  	[sflag:s7] =	ssyncadd.s32 $0xFFFFFE00  }
0x5c: {  	_ =	swait.ge [sflag:s7], $0x200  }
0x5d: {  	[sflag:s7] =	ssyncset.done $0x0  }
0x5e: {  	[sflag:s7] =	ssyncadd.s32 $0xFFFFFE00  }
0x5f: {  	_ =	swait.ge [sflag:s7], $0x200  }
0x60: {  	[sflag:s7] =	ssyncset.done $0x0  }
0x61: {  	[sflag:s7] =	ssyncadd.s32 $0xFFFFFE00  }
0x62: {  	_ =	swait.ge [sflag:s7], $0x200  }
0x63: {  	[sflag:s7] =	ssyncset.done $0x0  }
0x64: {  	[sflag:s7] =	ssyncadd.s32 $0xFFFFFE00  }
0x65: {  	_ =	swait.ge [sflag:s7], $0x200  }
0x66: {  	[sflag:s7] =	ssyncset.done $0x0  }
0x67: {  	[sflag:s7] =	ssyncadd.s32 $0xFFFFFE00  }
0x68: {  	_ =	swait.ge [sflag:s7], $0x200  }
0x69: {  	[sflag:s7] =	ssyncset.done $0x0  }
0x6a: {  	[sflag:s7] =	ssyncadd.s32 $0xFFFFFE00  }
0x6b: {  	_ =	swait.ge [sflag:s7], $0x200  }
0x6c: {  	[sflag:s7] =	ssyncset.done $0x0  }
0x6d: {  	[sflag:s7] =	ssyncadd.s32 $0xFFFFFE00  }
0x6e: {  	_ =	swait.ge [sflag:s7], $0x200  }
0x6f: {  	[sflag:s7] =	ssyncset.done $0x0  }
0x70: {  	[sflag:s7] =	ssyncadd.s32 $0xFFFFFE00  }
0x71: {  	_ =	swait.ge [sflag:s7], $0x200  }
0x72: {  	[sflag:s7] =	ssyncset.done $0x0  }
0x73: {  	[sflag:s7] =	ssyncadd.s32 $0xFFFFFE00  }
0x74: {  	_ =	swait.ge [sflag:s7], $0x200  }
0x75: {  	[sflag:s7] =	ssyncset.done $0x0  }
0x76: {  	[sflag:s7] =	ssyncadd.s32 $0xFFFFFE00  }
0x77: {  	_ =	swait.ge [sflag:s7], $0x200  }
0x78: {  	[sflag:s7] =	ssyncset.done $0x0  }
0x79: {  	[sflag:s7] =	ssyncadd.s32 $0xFFFFFE00  }
0x7a: {  	_ =	swait.ge [sflag:s7], $0x200  }
0x7b: {  	[sflag:s7] =	ssyncset.done $0x0  }
0x7c: {  	[sflag:s7] =	ssyncadd.s32 $0xFFFFFE00  }
0x7d: {  	_ =	swait.ge [sflag:s7], $0x200  }
0x7e: {  	[sflag:s7] =	ssyncset.done $0x0  }
0x7f: {  	[sflag:s7] =	ssyncadd.s32 $0xFFFFFE00  }
0x80: {  	_ =	swait.ge [sflag:s7], $0x200  }
0x81: {  	[sflag:s7] =	ssyncset.done $0x0  }
0x82: {  	[sflag:s7] =	ssyncadd.s32 $0xFFFFFE00  }
0x83: {  	_ =	swait.ge [sflag:s7], $0x200  }
0x84: {  	[sflag:s7] =	ssyncset.done $0x0  }
0x85: {  	[sflag:s7] =	ssyncadd.s32 $0xFFFFFE00  }
0x86: {  	_ =	swait.ge [sflag:s7], $0x200  }
0x87: {  	[sflag:s7] =	ssyncset.done $0x0  }
0x88: {  	[sflag:s7] =	ssyncadd.s32 $0xFFFFFE00  }
0x89: {  	_ =	swait.ge [sflag:s7], $0x200  }
0x8a: {  	[sflag:s7] =	ssyncset.done $0x0  }
0x8b: {  	[sflag:s7] =	ssyncadd.s32 $0xFFFFFE00  }
0x8c: {  	_ =	swait.ge [sflag:s7], $0x200  }
0x8d: {  	[sflag:s7] =	ssyncset.done $0x0  }
0x8e: {  	[sflag:s7] =	ssyncadd.s32 $0xFFFFFE00  }
0x8f: {  	_ =	swait.ge [sflag:s7], $0x200  }
0x90: {  	[sflag:s7] =	ssyncset.done $0x0  }
0x91: {  	[sflag:s7] =	ssyncadd.s32 $0xFFFFFE00  }
0x92: {  	_ =	swait.ge [sflag:s7], $0x200  }
0x93: {  	[sflag:s7] =	ssyncset.done $0x0  }
0x94: {  	[sflag:s7] =	ssyncadd.s32 $0xFFFFFE00  }
0x95: {  	_ =	swait.ge [sflag:s7], $0x200  }
0x96: {  	[sflag:s7] =	ssyncset.done $0x0  }
0x97: {  	[sflag:s7] =	ssyncadd.s32 $0xFFFFFE00  }
0x98: {  	_ =	swait.ge [sflag:s7], $0x200  }
0x99: {  	[sflag:s7] =	ssyncset.done $0x0  }
0x9a: {  	[sflag:s7] =	ssyncadd.s32 $0xFFFFFE00  }
0x9b: {  	_ =	swait.ge [sflag:s7], $0x200  }
0x9c: {  	[sflag:s7] =	ssyncset.done $0x0  }
0x9d: {  	s12 =	simm.s32 $0x3400;
	s13 =	rddreg [dreg:$0x4];
	[sflag:s7] =	ssyncadd.s32 $0xFFFFFE00  }
0x9e: {  	[tilespmem:s12], [sflag:$0x1] =	stream.indirect.gather [hbm4b:s13+s12], $0x1, s2, s12, $0xb8;
	[tilespmem:$0x6A80] =	vst v63  }
0x9f: {  	_ =	swait.ge [sflag:s7], $0x3400  }
0xa0: {  	[sflag:s7] =	ssyncset.done $0x0  }
0xa1: {  	[sflag:s7] =	ssyncadd.s32 $0xFFFFCC00  }
0xa2: {  	v0 =	vld [tilespmem:$0x6A00]  }
0xa3: {  	v1 =	vld [tilespmem:s12+$0x0]  }
0xa4: {  	s14 =	sand.u32 $0x1F0, s2  }
0xa5: {  	v2 =	vld [tilespmem:s14+$0x3600];
	_ =	sdelay $0x1  }
0xa6: {  	v3 =	vld [tilespmem:s14+$0x3800]  }
0xa7: {  	v1 =	vadd.f32 v1, v0  }
0xa8: {  	v4 =	vld [tilespmem:s14+$0x3A00]  }
0xa9: {  	v1 =	vadd.f32 v2, v1  }
0xaa: {  	v2 =	vld [tilespmem:s14+$0x3C00]  }
0xab: {  	v1 =	vadd.f32 v3, v1  }
0xac: {  	v3 =	vld [tilespmem:s14+$0x3E00]  }
0xad: {  	v1 =	vadd.f32 v4, v1  }
0xae: {  	v57 =	vld [tilespmem:s14+$0x4000]  }
0xaf: {  	v1 =	vadd.f32 v2, v1  }
0xb0: {  	v2 =	vld [tilespmem:s14+$0x4200]  }
0xb1: {  	v1 =	vadd.f32 v3, v1  }
0xb2: {  	v3 =	vld [tilespmem:s14+$0x4400]  }
0xb3: {  	v1 =	vadd.f32 v57, v1  }
0xb4: {  	v58 =	vld [tilespmem:s14+$0x4600]  }
0xb5: {  	v1 =	vadd.f32 v2, v1  }
0xb6: {  	v2 =	vld [tilespmem:s14+$0x4800]  }
0xb7: {  	v1 =	vadd.f32 v3, v1  }
0xb8: {  	v3 =	vld [tilespmem:s14+$0x4A00]  }
0xb9: {  	v1 =	vadd.f32 v58, v1  }
0xba: {  	v59 =	vld [tilespmem:s14+$0x4C00]  }
0xbb: {  	v1 =	vadd.f32 v2, v1  }
0xbc: {  	v2 =	vld [tilespmem:s14+$0x4E00]  }
0xbd: {  	v1 =	vadd.f32 v3, v1  }
0xbe: {  	v3 =	vld [tilespmem:s14+$0x5000]  }
0xbf: {  	v1 =	vadd.f32 v59, v1  }
0xc0: {  	v60 =	vld [tilespmem:s14+$0x5200]  }
0xc1: {  	v1 =	vadd.f32 v2, v1  }
0xc2: {  	v2 =	vld [tilespmem:s14+$0x5400]  }
0xc3: {  	v1 =	vadd.f32 v3, v1  }
0xc4: {  	v3 =	vld [tilespmem:s14+$0x5600]  }
0xc5: {  	v1 =	vadd.f32 v60, v1  }
0xc6: {  	v61 =	vld [tilespmem:s14+$0x5800]  }
0xc7: {  	v1 =	vadd.f32 v2, v1  }
0xc8: {  	v2 =	vld [tilespmem:s14+$0x5A00]  }
0xc9: {  	v1 =	vadd.f32 v3, v1  }
0xca: {  	v3 =	vld [tilespmem:s14+$0x5C00]  }
0xcb: {  	v1 =	vadd.f32 v61, v1  }
0xcc: {  	v62 =	vld [tilespmem:s14+$0x5E00]  }
0xcd: {  	v1 =	vadd.f32 v2, v1  }
0xce: {  	v2 =	vld [tilespmem:s14+$0x6000]  }
0xcf: {  	v1 =	vadd.f32 v3, v1  }
0xd0: {  	v3 =	vld [tilespmem:s14+$0x6200]  }
0xd1: {  	v1 =	vadd.f32 v62, v1  }
0xd2: {  	v63 =	vld [tilespmem:s14+$0x6400]  }
0xd3: {  	v1 =	vadd.f32 v2, v1  }
0xd4: {  	v2 =	vld [tilespmem:s14+$0x6600]  }
0xd5: {  	v1 =	vadd.f32 v3, v1;
	_ =	sdelay $0x1  }
0xd6: {  	v1 =	vadd.f32 v63, v1;
	_ =	sdelay $0x1  }
0xd7: {  	v1 =	vadd.f32 v2, v1;
	_ =	sdelay $0x1  }
0xd8: {  	s11 =	simm.s32 $0x3410;
	[tilespmem:s8+$0x0] =	vst v1  }
0xd9: {  	s10 =	simm.s32 $0x6800;
	s13 =	simm.s32 $0x20;
	s12 =	simm.s32 $0x10;
	v1 =	vld [tilespmem:s11+$0x0]  }
.LBB2_2:
0xda: {  	p0 =	sne.s32 s13, $0x1F0;
	s14 =	sand.u32 $0x1F0, s12;
	s12 =	smov.u32 s13  }
0xdb: {  	v2 =	vld [tilespmem:s14+$0x3600];
	_ =	sdelay $0x1  }
0xdc: {  	v3 =	vld [tilespmem:s14+$0x3800]  }
0xdd: {  	v1 =	vadd.f32 v1, v0  }
0xde: {  	v4 =	vld [tilespmem:s14+$0x3A00]  }
0xdf: {  	v1 =	vadd.f32 v2, v1  }
0xe0: {  	v2 =	vld [tilespmem:s14+$0x3C00]  }
0xe1: {  	v1 =	vadd.f32 v3, v1  }
0xe2: {  	v3 =	vld [tilespmem:s14+$0x3E00]  }
0xe3: {  	v1 =	vadd.f32 v4, v1  }
0xe4: {  	v4 =	vld [tilespmem:s14+$0x4000]  }
0xe5: {  	v1 =	vadd.f32 v2, v1  }
0xe6: {  	v2 =	vld [tilespmem:s14+$0x4200]  }
0xe7: {  	v1 =	vadd.f32 v3, v1  }
0xe8: {  	v3 =	vld [tilespmem:s14+$0x4400]  }
0xe9: {  	v1 =	vadd.f32 v4, v1  }
0xea: {  	v4 =	vld [tilespmem:s14+$0x4600]  }
0xeb: {  	v1 =	vadd.f32 v2, v1  }
0xec: {  	v2 =	vld [tilespmem:s14+$0x4800]  }
0xed: {  	v1 =	vadd.f32 v3, v1  }
0xee: {  	v3 =	vld [tilespmem:s14+$0x4A00]  }
0xef: {  	v1 =	vadd.f32 v4, v1  }
0xf0: {  	v4 =	vld [tilespmem:s14+$0x4C00]  }
0xf1: {  	v1 =	vadd.f32 v2, v1  }
0xf2: {  	v2 =	vld [tilespmem:s14+$0x4E00]  }
0xf3: {  	v1 =	vadd.f32 v3, v1  }
0xf4: {  	v3 =	vld [tilespmem:s14+$0x5000]  }
0xf5: {  	v1 =	vadd.f32 v4, v1  }
0xf6: {  	v4 =	vld [tilespmem:s14+$0x5200]  }
0xf7: {  	v1 =	vadd.f32 v2, v1  }
0xf8: {  	v2 =	vld [tilespmem:s14+$0x5400]  }
0xf9: {  	v1 =	vadd.f32 v3, v1  }
0xfa: {  	v3 =	vld [tilespmem:s14+$0x5600]  }
0xfb: {  	v1 =	vadd.f32 v4, v1  }
0xfc: {  	v4 =	vld [tilespmem:s14+$0x5800]  }
0xfd: {  	v1 =	vadd.f32 v2, v1  }
0xfe: {  	v2 =	vld [tilespmem:s14+$0x5A00]  }
0xff: {  	v1 =	vadd.f32 v3, v1  }
0x100: {  	v3 =	vld [tilespmem:s14+$0x5C00]  }
0x101: {  	v1 =	vadd.f32 v4, v1  }
0x102: {  	v4 =	vld [tilespmem:s14+$0x5E00]  }
0x103: {  	v1 =	vadd.f32 v2, v1  }
0x104: {  	v2 =	vld [tilespmem:s14+$0x6000]  }
0x105: {  	v1 =	vadd.f32 v3, v1  }
0x106: {  	v3 =	vld [tilespmem:s14+$0x6200]  }
0x107: {  	v1 =	vadd.f32 v4, v1  }
0x108: {  	v4 =	vld [tilespmem:s14+$0x6400]  }
0x109: {  	v1 =	vadd.f32 v2, v1  }
0x10a: {  	v2 =	vld [tilespmem:s14+$0x6600]  }
0x10b: {  	v1 =	vadd.f32 v3, v1;
	_ =	sdelay $0x1  }
0x10c: {  	v1 =	vadd.f32 v4, v1  }
.Ltmp0:
0x10d: {  	(pc) =	sbr.rel @p0 .LBB2_2-.Ltmp0, $4  }
0x10e: {  	v1 =	vadd.f32 v2, v1  }
0x10f: {  	s10 =	sadd.s32 $0x10, s10  }
0x110: {  	s11 =	sadd.s32 $0x10, s11;
	[tilespmem:s10+$0x0] =	vst v1  }
0x111: {  	s13 =	sadd.s32 $0x10, s13;
	v1 =	vld [tilespmem:s11+$0x0]  }
0x112: {  	s11 =	sand.u32 $0x1F0, s12  }
0x113: {  	v2 =	vld [tilespmem:s11+$0x3600];
	_ =	sdelay $0x1  }
0x114: {  	v3 =	vld [tilespmem:s11+$0x3800]  }
0x115: {  	v0 =	vadd.f32 v1, v0  }
0x116: {  	v41 =	vld [tilespmem:s11+$0x3A00]  }
0x117: {  	v0 =	vadd.f32 v2, v0  }
0x118: {  	v42 =	vld [tilespmem:s11+$0x3C00]  }
0x119: {  	v0 =	vadd.f32 v3, v0  }
0x11a: {  	v43 =	vld [tilespmem:s11+$0x3E00]  }
0x11b: {  	v0 =	vadd.f32 v41, v0  }
0x11c: {  	v44 =	vld [tilespmem:s11+$0x4000]  }
0x11d: {  	v0 =	vadd.f32 v42, v0  }
0x11e: {  	v45 =	vld [tilespmem:s11+$0x4200]  }
0x11f: {  	v0 =	vadd.f32 v43, v0  }
0x120: {  	v46 =	vld [tilespmem:s11+$0x4400]  }
0x121: {  	v0 =	vadd.f32 v44, v0  }
0x122: {  	v47 =	vld [tilespmem:s11+$0x4600]  }
0x123: {  	v0 =	vadd.f32 v45, v0  }
0x124: {  	v48 =	vld [tilespmem:s11+$0x4800]  }
0x125: {  	v0 =	vadd.f32 v46, v0  }
0x126: {  	v49 =	vld [tilespmem:s11+$0x4A00]  }
0x127: {  	v0 =	vadd.f32 v47, v0  }
0x128: {  	v50 =	vld [tilespmem:s11+$0x4C00]  }
0x129: {  	v0 =	vadd.f32 v48, v0  }
0x12a: {  	v51 =	vld [tilespmem:s11+$0x4E00]  }
0x12b: {  	v0 =	vadd.f32 v49, v0  }
0x12c: {  	v52 =	vld [tilespmem:s11+$0x5000]  }
0x12d: {  	v0 =	vadd.f32 v50, v0  }
0x12e: {  	v53 =	vld [tilespmem:s11+$0x5200]  }
0x12f: {  	v0 =	vadd.f32 v51, v0  }
0x130: {  	v54 =	vld [tilespmem:s11+$0x5400]  }
0x131: {  	v0 =	vadd.f32 v52, v0  }
0x132: {  	v55 =	vld [tilespmem:s11+$0x5600]  }
0x133: {  	v0 =	vadd.f32 v53, v0  }
0x134: {  	v56 =	vld [tilespmem:s11+$0x5800]  }
0x135: {  	v0 =	vadd.f32 v54, v0  }
0x136: {  	v57 =	vld [tilespmem:s11+$0x5A00]  }
0x137: {  	v0 =	vadd.f32 v55, v0  }
0x138: {  	v58 =	vld [tilespmem:s11+$0x5C00]  }
0x139: {  	v0 =	vadd.f32 v56, v0  }
0x13a: {  	v59 =	vld [tilespmem:s11+$0x5E00]  }
0x13b: {  	v0 =	vadd.f32 v57, v0  }
0x13c: {  	v60 =	vld [tilespmem:s11+$0x6000]  }
0x13d: {  	v0 =	vadd.f32 v58, v0  }
0x13e: {  	v61 =	vld [tilespmem:s11+$0x6200]  }
0x13f: {  	v0 =	vadd.f32 v59, v0  }
0x140: {  	v62 =	vld [tilespmem:s11+$0x6400]  }
0x141: {  	v0 =	vadd.f32 v60, v0  }
0x142: {  	v63 =	vld [tilespmem:s11+$0x6600]  }
0x143: {  	v0 =	vadd.f32 v61, v0;
	_ =	sdelay $0x1  }
0x144: {  	v0 =	vadd.f32 v62, v0;
	_ =	sdelay $0x1  }
0x145: {  	s9 =	sadd.s32 $0x1, s9;
	v0 =	vadd.f32 v63, v0  }
0x146: {  	s10 =	sadd.s32 $0x10, s10;
	p0 =	sne.s32 s9, s25  }
.Ltmp1:
0x147: {  	[tilespmem:s10+$0x0] =	vst v0;
	(pc) =	sbr.rel @p0 .LBB2_1-.Ltmp1, $4  }
0x148: {  	[hbm4b:s23+s2] =	stream.linear.scatter [tilespmem:s8], [sflag:$0x2], $0x200, $0x38;
	[tilespmem:$0x6A80] =	vst v63  }
0x149: {  	_ =	swait.ge [sflag:s6], $0x200  }
0x14a: {  	[sflag:s6] =	ssyncset.done $0x0  }
0x14b: {  	[sflag:s6] =	ssyncadd.s32 $0xFFFFFE00  }
0x14c: {  	_ =	sfence.sel $0x180000  }
0x14d: {  	[bflag:$0x0] =	sbarrier.arrive $0xFFFF  }
0x14e: {  	_ =	strace $0x90000047  }
0x14f: {  	s0 =	stileid.u32;
	[bflag:$0x2] =	sbarrier.arrive $0xFFFF  }
0x150: {  	p0 =	sne.s32 s0, $0x0;
	s0 =	rddreg [dreg:$0x3]  }
0x151: {  	s0 =	sadd.s32 @!p0 $0x100000, s0  }
0x152: {  	[sflag:s0] =	ssyncadd.tile.s32 @!p0 $0x1;
	_ =	shalt  }
.Lfunc_end2:
_tile_overlayer_lowered:
.L_overlay_start_2:
0x153: {  	(tag) =	ssettag $0x2  }
0x154: {  	s0 =	rddreg [dreg:$0x0];
	s2 =	stileid.u32  }
0x155: {  	s1 =	rddreg [dreg:$0x1];
	p0 =	sne.s32 s2, $0x0  }
0x156: {  	s3 =	rddreg [dreg:$0x2];
	[bflag:$0x3] =	sbarrier.arrive $0xFFFF;
	s2 =	simm.s32 @!p0 $0x1C02  }
0x157: {  	[timem:s3], [sflag:s2] =	dma.local @!p0 [hbm:s0], s1  }
0x158: {  	s0 =	simm.s32 @!p0 $0x2  }
0x159: {  	_ =	swait.ge @!p0 [sflag:s0], s1  }
0x15a: {  	s1 =	ssub.s32 @!p0 $0x0, s1;
	[sflag:s0] =	ssyncset.done @!p0 $0x0  }
0x15b: {  	[sflag:s0] =	ssyncadd.s32 @!p0 s1  }
0x15c: {  	[bflag:$0x3] =	sbarrier.arrive $0xFFFF  }
0x15d: {  	_ =	shalt  }

</sc_bundles>
